<compile_context>
chip_gen: v7x
topology: tpu7x:2x2x1
jax: 0.10.2.dev20260603
libtpu: 0.0.44.dev20260713+nightly
codegen_flags: <defaults>
</compile_context>

<pallas_src>
import jax
import jax.numpy as jnp
from jax import lax
from jax.experimental import pallas as pl
from jax.experimental.pallas import tpu as pltpu, tpu_sc as plsc

VOCAB = 100000
HID = 1024
MAX_POS = 2048
N_LANG = 8
B = 4
S = 2048

NC = 2
NS = 16
NW = NC * NS
TOK = B * S
TPW = TOK // NW
CH = 16
NCHUNK = TPW // CH
NV = HID // 16


def _rsqrt16(v):
    i = lax.bitcast_convert_type(v, jnp.int32)
    i = jnp.int32(0x5F3759DF) - lax.shift_right_arithmetic(i, 1)
    y = lax.bitcast_convert_type(i, jnp.float32)
    for _ in range(3):
        y = y * (1.5 - 0.5 * v * y * y)
    return y


def _kernel_body(ids_hbm, lang_hbm, ww_hbm, wp_hbm, wl_hbm, g_hbm, bta_hbm,
                 out_hbm, idx_v, lid_v, lrows_v, g_v, bta_v, w_v, p_v, o_v,
                 semg, semw, semp, semo):
    wid = lax.axis_index("s") * NC + lax.axis_index("c")
    base = wid * TPW
    bidx = base // S
    s0 = base - bidx * S

    pltpu.sync_copy(ids_hbm.at[pl.ds(base, TPW)], idx_v)
    pltpu.sync_copy(g_hbm, g_v)
    pltpu.sync_copy(bta_hbm, bta_v)
    pltpu.sync_copy(lang_hbm, lid_v)
    pltpu.async_copy(wl_hbm.at[lid_v], lrows_v, semg).wait()

    def issue_in(c, slot):
        pltpu.async_copy(ww_hbm.at[idx_v.at[pl.ds(c * CH, CH)]],
                         w_v.at[slot], semw.at[slot])
        pltpu.async_copy(wp_hbm.at[pl.ds(s0 + c * CH, CH)],
                         p_v.at[slot], semp.at[slot])

    issue_in(0, 0)
    issue_in(1, 1)

    def chunk_body(c, _):
        slot = lax.rem(c, 2)
        pltpu.make_async_copy(ww_hbm.at[idx_v.at[pl.ds(0, CH)]],
                              w_v.at[slot], semw.at[slot]).wait()
        pltpu.make_async_copy(wp_hbm.at[pl.ds(0, CH)],
                              p_v.at[slot], semp.at[slot]).wait()

        @pl.when(c >= 2)
        def _():
            pltpu.make_async_copy(o_v.at[slot], out_hbm.at[pl.ds(base, CH)],
                                  semo.at[slot]).wait()

        def row_body(r, _):
            zero = jnp.zeros((16,), jnp.float32)

            @plsc.parallel_loop(0, NV, unroll=8, carry=(zero, zero))
            def sums(j, carry):
                s1, s2 = carry
                col = j * 16
                x = (w_v[slot, r, pl.ds(col, 16)]
                     + p_v[slot, r, pl.ds(col, 16)]
                     + lrows_v[bidx, pl.ds(col, 16)])
                o_v[slot, r, pl.ds(col, 16)] = x
                return s1 + x, s2 + x * x

            s1, s2 = sums
            mu = jnp.sum(s1) * (1.0 / HID)
            var = jnp.sum(s2) * (1.0 / HID) - mu * mu
            rstd = _rsqrt16(jnp.full((16,), var + 1e-5, jnp.float32))

            @plsc.parallel_loop(0, NV, unroll=8)
            def norm(j):
                col = j * 16
                x = o_v[slot, r, pl.ds(col, 16)]
                o_v[slot, r, pl.ds(col, 16)] = (
                    (x - mu) * rstd * g_v[pl.ds(col, 16)]
                    + bta_v[pl.ds(col, 16)])

            return 0

        lax.fori_loop(0, CH, row_body, 0)

        pltpu.async_copy(o_v.at[slot], out_hbm.at[pl.ds(base + c * CH, CH)],
                         semo.at[slot])

        @pl.when(c + 2 < NCHUNK)
        def _():
            issue_in(c + 2, slot)

        return 0

    lax.fori_loop(0, NCHUNK, chunk_body, 0)

    pltpu.make_async_copy(o_v.at[0], out_hbm.at[pl.ds(base, CH)],
                          semo.at[0]).wait()
    pltpu.make_async_copy(o_v.at[1], out_hbm.at[pl.ds(base, CH)],
                          semo.at[1]).wait()


@jax.jit
def _run(ids_flat, lang_pad, W_word, W_pos, W_lang, ln_gamma, ln_beta):
    mesh = plsc.VectorSubcoreMesh(core_axis_name="c", subcore_axis_name="s")
    return pl.kernel(
        _kernel_body,
        out_type=jax.ShapeDtypeStruct((TOK, HID), jnp.float32),
        mesh=mesh,
        compiler_params=pltpu.CompilerParams(needs_layout_passes=False),
        scratch_types=[
            pltpu.VMEM((TPW,), jnp.int32),
            pltpu.VMEM((N_LANG,), jnp.int32),
            pltpu.VMEM((N_LANG, HID), jnp.float32),
            pltpu.VMEM((HID,), jnp.float32),
            pltpu.VMEM((HID,), jnp.float32),
            pltpu.VMEM((2, CH, HID), jnp.float32),
            pltpu.VMEM((2, CH, HID), jnp.float32),
            pltpu.VMEM((2, CH, HID), jnp.float32),
            pltpu.SemaphoreType.DMA,
            pltpu.SemaphoreType.DMA((2,)),
            pltpu.SemaphoreType.DMA((2,)),
            pltpu.SemaphoreType.DMA((2,)),
        ],
    )(ids_flat, lang_pad, W_word, W_pos, W_lang, ln_gamma, ln_beta)


def kernel(input_ids, language_id, W_word, W_pos, W_lang, ln_gamma, ln_beta):
    ids_flat = input_ids.reshape(-1).astype(jnp.int32)
    lang_pad = jnp.concatenate(
        [language_id.astype(jnp.int32),
         jnp.zeros((N_LANG - B,), jnp.int32)])
    out = _run(ids_flat, lang_pad, W_word, W_pos, W_lang, ln_gamma, ln_beta)
    return out.reshape(B, S, HID)

# --- scband reference (transcript-rebuilt; emitter-appended) ---
"""Pipeline reference for scband-multilingual-embeddings-6493990551699 (READ-ONLY COPY).

The authoritative reference and input builder live on the scoring server;
editing this copy changes nothing except your own understanding.
"""

import jax, jax.numpy as jnp
import numpy as np

VOCAB = 100000
HID = 1024
MAX_POS = 2048
N_LANG = 8
B = 4
S = 2048


def setup_inputs(seed: int = 0) -> dict:
    key = jax.random.key(seed)
    k1, k2, k3, k4, k5 = jax.random.split(key, 5)
    input_ids = jax.random.randint(k1, (B, S), 0, VOCAB, dtype=jnp.int64 if jax.config.jax_enable_x64 else jnp.int32)
    language_id = jax.random.randint(k2, (B,), 0, N_LANG, dtype=jnp.int64 if jax.config.jax_enable_x64 else jnp.int32)
    W_word = jax.random.normal(k3, (VOCAB, HID), dtype=jnp.float32) * 0.02
    W_pos = jax.random.normal(k4, (MAX_POS, HID), dtype=jnp.float32) * 0.02
    W_lang = jax.random.normal(k5, (N_LANG, HID), dtype=jnp.float32) * 0.02
    ln_gamma = jnp.ones((HID,), dtype=jnp.float32)
    ln_beta = jnp.zeros((HID,), dtype=jnp.float32)
    return {
        "input_ids": input_ids,
        "language_id": language_id,
        "W_word": W_word,
        "W_pos": W_pos,
        "W_lang": W_lang,
        "ln_gamma": ln_gamma,
        "ln_beta": ln_beta,
    }


def _layer_norm(x, gamma, beta, eps=1e-5):
    mu = jnp.mean(x, axis=-1, keepdims=True)
    var = jnp.mean(jnp.square(x - mu), axis=-1, keepdims=True)
    return (x - mu) / jnp.sqrt(var + eps) * gamma + beta


def reference(input_ids, language_id, W_word, W_pos, W_lang, ln_gamma, ln_beta):
    seq_length = input_ids.shape[1]
    position_ids = jnp.arange(seq_length)
    word_emb = jnp.take(W_word, input_ids, axis=0)            # [B, S, H]
    pos_emb = jnp.take(W_pos, position_ids, axis=0)[None]     # [1, S, H]
    embeddings = word_emb + pos_emb
    lang_emb = jnp.take(W_lang, language_id, axis=0)[:, None]  # [B, 1, H]
    embeddings = embeddings + lang_emb
    embeddings = _layer_norm(embeddings, ln_gamma, ln_beta)
    # dropout is identity in eval / deterministic mode
    return embeddings

if __name__ == "__main__":
    import jax
    _d = setup_inputs()
    print(jax.jit(kernel)(*tuple(_d.values())))

</pallas_src>

<mosaic_0001>
#map = affine_map<(d0, d1) -> (0)>
#map1 = affine_map<(d0, d1) -> (0, 0)>
module attributes {stable_mosaic.version = 14 : i64} {
  func.func @_kernel_body(%arg0: i32, %arg1: i32, %arg2: memref<8192xi32, #tpu.memory_space<hbm>>, %arg3: memref<8xi32, #tpu.memory_space<hbm>>, %arg4: memref<100000x1024xf32, #tpu.memory_space<hbm>>, %arg5: memref<2048x1024xf32, #tpu.memory_space<hbm>>, %arg6: memref<8x1024xf32, #tpu.memory_space<hbm>>, %arg7: memref<1024xf32, #tpu.memory_space<hbm>>, %arg8: memref<1024xf32, #tpu.memory_space<hbm>>, %arg9: memref<8192x1024xf32, #tpu.memory_space<hbm>>, %arg10: memref<256xi32, #tpu.memory_space<vmem>>, %arg11: memref<8xi32, #tpu.memory_space<vmem>>, %arg12: memref<8x1024xf32, #tpu.memory_space<vmem>>, %arg13: memref<1024xf32, #tpu.memory_space<vmem>>, %arg14: memref<1024xf32, #tpu.memory_space<vmem>>, %arg15: memref<2x16x1024xf32, #tpu.memory_space<vmem>>, %arg16: memref<2x16x1024xf32, #tpu.memory_space<vmem>>, %arg17: memref<2x16x1024xf32, #tpu.memory_space<vmem>>, %arg18: memref<!tpu.dma_semaphore, #tpu.memory_space<semaphore_mem>>, %arg19: memref<2x!tpu.dma_semaphore, #tpu.memory_space<semaphore_mem>>, %arg20: memref<2x!tpu.dma_semaphore, #tpu.memory_space<semaphore_mem>>, %arg21: memref<2x!tpu.dma_semaphore, #tpu.memory_space<semaphore_mem>>) attributes {dimension_semantics = [#tpu.dimension_semantics<core_parallel>, #tpu.dimension_semantics<subcore_parallel>], iteration_bounds = array<i64: 2, 16>, scalar_prefetch = 0 : i64, scratch_operands = 12 : i64, tpu.core_type = #tpu.core_type<sc_vector_subcore>, window_params = [{transform_indices = #map}, {transform_indices = #map}, {transform_indices = #map1}, {transform_indices = #map1}, {transform_indices = #map1}, {transform_indices = #map}, {transform_indices = #map}, {transform_indices = #map1}]} {
    %mul3A = arith.constant 2 : i32
    %mul3A_0 = arith.muli %arg1, %mul3A : i32
    %add3A = arith.addi %mul3A_0, %arg0 : i32
    %mul3A_1 = arith.constant 256 : i32
    %mul3A_2 = arith.muli %add3A, %mul3A_1 : i32
    %jit3A = arith.constant 2048 : i32
    %div3A = arith.divsi %mul3A_2, %jit3A : i32
    %sign3A = arith.constant 0 : i32
    %sign3A_3 = arith.cmpi sgt, %mul3A_2, %sign3A : i32
    %sign3A_4 = arith.extui %sign3A_3 : i1 to i32
    %sign3A_5 = arith.constant 0 : i32
    %sign3A_6 = arith.cmpi slt, %mul3A_2, %sign3A_5 : i32
    %sign3A_7 = arith.extui %sign3A_6 : i1 to i32
    %sign3A_8 = arith.subi %sign3A_4, %sign3A_7 : i32
    %sign3A_9 = arith.constant 0 : i32
    %sign3A_10 = arith.cmpi sgt, %jit3A, %sign3A_9 : i32
    %sign3A_11 = arith.extui %sign3A_10 : i1 to i32
    %sign3A_12 = arith.constant 0 : i32
    %sign3A_13 = arith.cmpi slt, %jit3A, %sign3A_12 : i32
    %sign3A_14 = arith.extui %sign3A_13 : i1 to i32
    %sign3A_15 = arith.subi %sign3A_11, %sign3A_14 : i32
    %ne3A = arith.cmpi ne, %sign3A_8, %sign3A_15 : i32
    %rem3A = arith.remsi %mul3A_2, %jit3A : i32
    %ne3A_16 = arith.constant 0 : i32
    %ne3A_17 = arith.cmpi ne, %rem3A, %ne3A_16 : i32
    %and3A = arith.andi %ne3A, %ne3A_17 : i1
    %sub3A = arith.constant 1 : i32
    %sub3A_18 = arith.subi %div3A, %sub3A : i32
    %select_n3A = arith.select %and3A, %sub3A_18, %div3A : i32
    %mul3A_19 = arith.constant 2048 : i32
    %mul3A_20 = arith.muli %select_n3A, %mul3A_19 : i32
    %sub3A_21 = arith.subi %mul3A_2, %mul3A_20 : i32
    "tpu.region"() ({
      %run_scoped3A = tpu.sem_alloc : memref<!tpu.dma_semaphore, #tpu.memory_space<semaphore_mem>>
      %dma_start3A_126 = tpu.memref_slice %arg2[%mul3A_2] : memref<8192xi32, #tpu.memory_space<hbm>> -> memref<256xi32, #tpu.memory_space<hbm>>
      %dma_start3A_127 = tpu.memref_slice %arg2[%mul3A_2] : memref<8192xi32, #tpu.memory_space<hbm>> -> memref<256xi32, #tpu.memory_space<hbm>>
      tpu.enqueue_dma source(%dma_start3A_127 : memref<256xi32, #tpu.memory_space<hbm>>) target(%arg10 : memref<256xi32, #tpu.memory_space<vmem>>) target_semaphore(%run_scoped3A : memref<!tpu.dma_semaphore, #tpu.memory_space<semaphore_mem>>)
      %dma_wait3A_128 = tpu.memref_slice %arg2[%mul3A_2] : memref<8192xi32, #tpu.memory_space<hbm>> -> memref<256xi32, #tpu.memory_space<hbm>>
      %dma_wait3A_129 = tpu.memref_slice %arg2[%mul3A_2] : memref<8192xi32, #tpu.memory_space<hbm>> -> memref<256xi32, #tpu.memory_space<hbm>>
      tpu.wait_dma2 semaphore(%run_scoped3A : memref<!tpu.dma_semaphore, #tpu.memory_space<semaphore_mem>>) src(%dma_wait3A_129 : memref<256xi32, #tpu.memory_space<hbm>>) dst(%arg10 : memref<256xi32, #tpu.memory_space<vmem>>)
      tpu.yield
    }) : () -> ()
    "tpu.region"() ({
      %run_scoped3A = tpu.sem_alloc : memref<!tpu.dma_semaphore, #tpu.memory_space<semaphore_mem>>
      tpu.enqueue_dma source(%arg7 : memref<1024xf32, #tpu.memory_space<hbm>>) target(%arg13 : memref<1024xf32, #tpu.memory_space<vmem>>) target_semaphore(%run_scoped3A : memref<!tpu.dma_semaphore, #tpu.memory_space<semaphore_mem>>)
      tpu.wait_dma2 semaphore(%run_scoped3A : memref<!tpu.dma_semaphore, #tpu.memory_space<semaphore_mem>>) src(%arg7 : memref<1024xf32, #tpu.memory_space<hbm>>) dst(%arg13 : memref<1024xf32, #tpu.memory_space<vmem>>)
      tpu.yield
    }) : () -> ()
    "tpu.region"() ({
      %run_scoped3A = tpu.sem_alloc : memref<!tpu.dma_semaphore, #tpu.memory_space<semaphore_mem>>
      tpu.enqueue_dma source(%arg8 : memref<1024xf32, #tpu.memory_space<hbm>>) target(%arg14 : memref<1024xf32, #tpu.memory_space<vmem>>) target_semaphore(%run_scoped3A : memref<!tpu.dma_semaphore, #tpu.memory_space<semaphore_mem>>)
      tpu.wait_dma2 semaphore(%run_scoped3A : memref<!tpu.dma_semaphore, #tpu.memory_space<semaphore_mem>>) src(%arg8 : memref<1024xf32, #tpu.memory_space<hbm>>) dst(%arg14 : memref<1024xf32, #tpu.memory_space<vmem>>)
      tpu.yield
    }) : () -> ()
    "tpu.region"() ({
      %run_scoped3A = tpu.sem_alloc : memref<!tpu.dma_semaphore, #tpu.memory_space<semaphore_mem>>
      tpu.enqueue_dma source(%arg3 : memref<8xi32, #tpu.memory_space<hbm>>) target(%arg11 : memref<8xi32, #tpu.memory_space<vmem>>) target_semaphore(%run_scoped3A : memref<!tpu.dma_semaphore, #tpu.memory_space<semaphore_mem>>)
      tpu.wait_dma2 semaphore(%run_scoped3A : memref<!tpu.dma_semaphore, #tpu.memory_space<semaphore_mem>>) src(%arg3 : memref<8xi32, #tpu.memory_space<hbm>>) dst(%arg11 : memref<8xi32, #tpu.memory_space<vmem>>)
      tpu.yield
    }) : () -> ()
    %dma_start3A = arith.constant 0 : i32
    %dma_start3A_22 = arith.constant 0 : i32
    %dma_start3A_23 = tpu.memref_slice %arg6[%dma_start3A, %dma_start3A_22] : memref<8x1024xf32, #tpu.memory_space<hbm>> -> memref<8x1024xf32, #tpu.memory_space<hbm>>
    tpu.enqueue_indirect_dma source(%dma_start3A_23 : memref<8x1024xf32, #tpu.memory_space<hbm>>) target(%arg12 : memref<8x1024xf32, #tpu.memory_space<vmem>>) offsets(%arg11 : memref<8xi32, #tpu.memory_space<vmem>>) semaphore(%arg18 : memref<!tpu.dma_semaphore, #tpu.memory_space<semaphore_mem>>)
    %dma_wait3A = arith.constant 0 : i32
    %dma_wait3A_24 = arith.constant 0 : i32
    %dma_wait3A_25 = tpu.memref_slice %arg6[%dma_wait3A, %dma_wait3A_24] : memref<8x1024xf32, #tpu.memory_space<hbm>> -> memref<8x1024xf32, #tpu.memory_space<hbm>>
    tpu.wait_indirect_dma semaphore(%arg18 : memref<!tpu.dma_semaphore, #tpu.memory_space<semaphore_mem>>) src(%dma_wait3A_25 : memref<8x1024xf32, #tpu.memory_space<hbm>>) dst(%arg12 : memref<8x1024xf32, #tpu.memory_space<vmem>>)
    %dma_start3A_26 = arith.constant 0 : i32
    %dma_start3A_27 = arith.constant 0 : i32
    %dma_start3A_28 = arith.constant 0 : i32
    %dma_start3A_29 = arith.constant 0 : i32
    %dma_start3A_30 = tpu.memref_slice %arg15[%dma_start3A_26, %dma_start3A_28, %dma_start3A_29] : memref<2x16x1024xf32, #tpu.memory_space<vmem>> -> memref<1x16x1024xf32, #tpu.memory_space<vmem>>
    %dma_start3A_31 = tpu.memref_squeeze %dma_start3A_30 : memref<1x16x1024xf32, #tpu.memory_space<vmem>> -> memref<16x1024xf32, #tpu.memory_space<vmem>>
    %dma_start3A_32 = arith.constant 0 : i32
    %dma_start3A_33 = tpu.memref_slice %arg10[%dma_start3A_32] : memref<256xi32, #tpu.memory_space<vmem>> -> memref<16xi32, #tpu.memory_space<vmem>>
    %dma_start3A_34 = arith.constant 0 : i32
    %dma_start3A_35 = arith.constant 0 : i32
    %dma_start3A_36 = tpu.memref_slice %arg4[%dma_start3A_34, %dma_start3A_35] : memref<100000x1024xf32, #tpu.memory_space<hbm>> -> memref<100000x1024xf32, #tpu.memory_space<hbm>>
    %dma_start3A_37 = tpu.memref_slice %arg19[%dma_start3A_27] : memref<2x!tpu.dma_semaphore, #tpu.memory_space<semaphore_mem>> -> memref<1x!tpu.dma_semaphore, #tpu.memory_space<semaphore_mem>>
    %dma_start3A_38 = tpu.memref_squeeze %dma_start3A_37 : memref<1x!tpu.dma_semaphore, #tpu.memory_space<semaphore_mem>> -> memref<!tpu.dma_semaphore, #tpu.memory_space<semaphore_mem>>
    tpu.enqueue_indirect_dma source(%dma_start3A_36 : memref<100000x1024xf32, #tpu.memory_space<hbm>>) target(%dma_start3A_31 : memref<16x1024xf32, #tpu.memory_space<vmem>>) offsets(%dma_start3A_33 : memref<16xi32, #tpu.memory_space<vmem>>) semaphore(%dma_start3A_38 : memref<!tpu.dma_semaphore, #tpu.memory_space<semaphore_mem>>)
    %add3A_39 = arith.constant 0 : i32
    %add3A_40 = arith.addi %sub3A_21, %add3A_39 : i32
    %dma_start3A_41 = arith.constant 0 : i32
    %dma_start3A_42 = arith.constant 0 : i32
    %dma_start3A_43 = arith.constant 0 : i32
    %dma_start3A_44 = arith.constant 0 : i32
    %dma_start3A_45 = tpu.memref_slice %arg16[%dma_start3A_41, %dma_start3A_43, %dma_start3A_44] : memref<2x16x1024xf32, #tpu.memory_space<vmem>> -> memref<1x16x1024xf32, #tpu.memory_space<vmem>>
    %dma_start3A_46 = tpu.memref_squeeze %dma_start3A_45 : memref<1x16x1024xf32, #tpu.memory_space<vmem>> -> memref<16x1024xf32, #tpu.memory_space<vmem>>
    %dma_start3A_47 = arith.constant 0 : i32
    %dma_start3A_48 = tpu.memref_slice %arg5[%add3A_40, %dma_start3A_47] : memref<2048x1024xf32, #tpu.memory_space<hbm>> -> memref<16x1024xf32, #tpu.memory_space<hbm>>
    %dma_start3A_49 = tpu.memref_slice %arg20[%dma_start3A_42] : memref<2x!tpu.dma_semaphore, #tpu.memory_space<semaphore_mem>> -> memref<1x!tpu.dma_semaphore, #tpu.memory_space<semaphore_mem>>
    %dma_start3A_50 = tpu.memref_squeeze %dma_start3A_49 : memref<1x!tpu.dma_semaphore, #tpu.memory_space<semaphore_mem>> -> memref<!tpu.dma_semaphore, #tpu.memory_space<semaphore_mem>>
    %dma_start3A_51 = arith.constant 0 : i32
    %dma_start3A_52 = arith.constant 0 : i32
    %dma_start3A_53 = tpu.memref_slice %arg16[%dma_start3A_41, %dma_start3A_51, %dma_start3A_52] : memref<2x16x1024xf32, #tpu.memory_space<vmem>> -> memref<1x16x1024xf32, #tpu.memory_space<vmem>>
    %dma_start3A_54 = tpu.memref_squeeze %dma_start3A_53 : memref<1x16x1024xf32, #tpu.memory_space<vmem>> -> memref<16x1024xf32, #tpu.memory_space<vmem>>
    %dma_start3A_55 = arith.constant 0 : i32
    %dma_start3A_56 = tpu.memref_slice %arg5[%add3A_40, %dma_start3A_55] : memref<2048x1024xf32, #tpu.memory_space<hbm>> -> memref<16x1024xf32, #tpu.memory_space<hbm>>
    tpu.enqueue_dma source(%dma_start3A_56 : memref<16x1024xf32, #tpu.memory_space<hbm>>) target(%dma_start3A_54 : memref<16x1024xf32, #tpu.memory_space<vmem>>) target_semaphore(%dma_start3A_50 : memref<!tpu.dma_semaphore, #tpu.memory_space<semaphore_mem>>)
    %dma_start3A_57 = arith.constant 1 : i32
    %dma_start3A_58 = arith.constant 1 : i32
    %dma_start3A_59 = arith.constant 0 : i32
    %dma_start3A_60 = arith.constant 0 : i32
    %dma_start3A_61 = tpu.memref_slice %arg15[%dma_start3A_57, %dma_start3A_59, %dma_start3A_60] : memref<2x16x1024xf32, #tpu.memory_space<vmem>> -> memref<1x16x1024xf32, #tpu.memory_space<vmem>>
    %dma_start3A_62 = tpu.memref_squeeze %dma_start3A_61 : memref<1x16x1024xf32, #tpu.memory_space<vmem>> -> memref<16x1024xf32, #tpu.memory_space<vmem>>
    %dma_start3A_63 = arith.constant 16 : i32
    %dma_start3A_64 = tpu.memref_slice %arg10[%dma_start3A_63] : memref<256xi32, #tpu.memory_space<vmem>> -> memref<16xi32, #tpu.memory_space<vmem>>
    %dma_start3A_65 = arith.constant 0 : i32
    %dma_start3A_66 = arith.constant 0 : i32
    %dma_start3A_67 = tpu.memref_slice %arg4[%dma_start3A_65, %dma_start3A_66] : memref<100000x1024xf32, #tpu.memory_space<hbm>> -> memref<100000x1024xf32, #tpu.memory_space<hbm>>
    %dma_start3A_68 = tpu.memref_slice %arg19[%dma_start3A_58] : memref<2x!tpu.dma_semaphore, #tpu.memory_space<semaphore_mem>> -> memref<1x!tpu.dma_semaphore, #tpu.memory_space<semaphore_mem>>
    %dma_start3A_69 = tpu.memref_squeeze %dma_start3A_68 : memref<1x!tpu.dma_semaphore, #tpu.memory_space<semaphore_mem>> -> memref<!tpu.dma_semaphore, #tpu.memory_space<semaphore_mem>>
    tpu.enqueue_indirect_dma source(%dma_start3A_67 : memref<100000x1024xf32, #tpu.memory_space<hbm>>) target(%dma_start3A_62 : memref<16x1024xf32, #tpu.memory_space<vmem>>) offsets(%dma_start3A_64 : memref<16xi32, #tpu.memory_space<vmem>>) semaphore(%dma_start3A_69 : memref<!tpu.dma_semaphore, #tpu.memory_space<semaphore_mem>>)
    %add3A_70 = arith.constant 16 : i32
    %add3A_71 = arith.addi %sub3A_21, %add3A_70 : i32
    %dma_start3A_72 = arith.constant 1 : i32
    %dma_start3A_73 = arith.constant 1 : i32
    %dma_start3A_74 = arith.constant 0 : i32
    %dma_start3A_75 = arith.constant 0 : i32
    %dma_start3A_76 = tpu.memref_slice %arg16[%dma_start3A_72, %dma_start3A_74, %dma_start3A_75] : memref<2x16x1024xf32, #tpu.memory_space<vmem>> -> memref<1x16x1024xf32, #tpu.memory_space<vmem>>
    %dma_start3A_77 = tpu.memref_squeeze %dma_start3A_76 : memref<1x16x1024xf32, #tpu.memory_space<vmem>> -> memref<16x1024xf32, #tpu.memory_space<vmem>>
    %dma_start3A_78 = arith.constant 0 : i32
    %dma_start3A_79 = tpu.memref_slice %arg5[%add3A_71, %dma_start3A_78] : memref<2048x1024xf32, #tpu.memory_space<hbm>> -> memref<16x1024xf32, #tpu.memory_space<hbm>>
    %dma_start3A_80 = tpu.memref_slice %arg20[%dma_start3A_73] : memref<2x!tpu.dma_semaphore, #tpu.memory_space<semaphore_mem>> -> memref<1x!tpu.dma_semaphore, #tpu.memory_space<semaphore_mem>>
    %dma_start3A_81 = tpu.memref_squeeze %dma_start3A_80 : memref<1x!tpu.dma_semaphore, #tpu.memory_space<semaphore_mem>> -> memref<!tpu.dma_semaphore, #tpu.memory_space<semaphore_mem>>
    %dma_start3A_82 = arith.constant 0 : i32
    %dma_start3A_83 = arith.constant 0 : i32
    %dma_start3A_84 = tpu.memref_slice %arg16[%dma_start3A_72, %dma_start3A_82, %dma_start3A_83] : memref<2x16x1024xf32, #tpu.memory_space<vmem>> -> memref<1x16x1024xf32, #tpu.memory_space<vmem>>
    %dma_start3A_85 = tpu.memref_squeeze %dma_start3A_84 : memref<1x16x1024xf32, #tpu.memory_space<vmem>> -> memref<16x1024xf32, #tpu.memory_space<vmem>>
    %dma_start3A_86 = arith.constant 0 : i32
    %dma_start3A_87 = tpu.memref_slice %arg5[%add3A_71, %dma_start3A_86] : memref<2048x1024xf32, #tpu.memory_space<hbm>> -> memref<16x1024xf32, #tpu.memory_space<hbm>>
    tpu.enqueue_dma source(%dma_start3A_87 : memref<16x1024xf32, #tpu.memory_space<hbm>>) target(%dma_start3A_85 : memref<16x1024xf32, #tpu.memory_space<vmem>>) target_semaphore(%dma_start3A_81 : memref<!tpu.dma_semaphore, #tpu.memory_space<semaphore_mem>>)
    %scan3A = arith.constant 0 : i32
    %scan3A_88 = arith.constant 0 : i32
    %scan3A_89 = arith.constant 16 : i32
    %scan3A_90 = arith.addi %scan3A_88, %scan3A_89 : i32
    %scan3A_91 = arith.constant 1 : i32
    %scan3A_92 = scf.for %scan3A_126 = %scan3A_88 to %scan3A_90 step %scan3A_91 iter_args(%scan3A_127 = %scan3A) -> (i32)  : i32 {
      %rem3A_128 = arith.constant 2 : i32
      %rem3A_129 = arith.remsi %scan3A_126, %rem3A_128 : i32
      %dma_wait3A_130 = arith.constant 0 : i32
      %dma_wait3A_131 = arith.constant 0 : i32
      %dma_wait3A_132 = tpu.memref_slice %arg15[%rem3A_129, %dma_wait3A_130, %dma_wait3A_131] : memref<2x16x1024xf32, #tpu.memory_space<vmem>> -> memref<1x16x1024xf32, #tpu.memory_space<vmem>>
      %dma_wait3A_133 = tpu.memref_squeeze %dma_wait3A_132 : memref<1x16x1024xf32, #tpu.memory_space<vmem>> -> memref<16x1024xf32, #tpu.memory_space<vmem>>
      %dma_wait3A_134 = arith.constant 0 : i32
      %dma_wait3A_135 = tpu.memref_slice %arg10[%dma_wait3A_134] : memref<256xi32, #tpu.memory_space<vmem>> -> memref<16xi32, #tpu.memory_space<vmem>>
      %dma_wait3A_136 = arith.constant 0 : i32
      %dma_wait3A_137 = arith.constant 0 : i32
      %dma_wait3A_138 = tpu.memref_slice %arg4[%dma_wait3A_136, %dma_wait3A_137] : memref<100000x1024xf32, #tpu.memory_space<hbm>> -> memref<100000x1024xf32, #tpu.memory_space<hbm>>
      %dma_wait3A_139 = tpu.memref_slice %arg19[%rem3A_129] : memref<2x!tpu.dma_semaphore, #tpu.memory_space<semaphore_mem>> -> memref<1x!tpu.dma_semaphore, #tpu.memory_space<semaphore_mem>>
      %dma_wait3A_140 = tpu.memref_squeeze %dma_wait3A_139 : memref<1x!tpu.dma_semaphore, #tpu.memory_space<semaphore_mem>> -> memref<!tpu.dma_semaphore, #tpu.memory_space<semaphore_mem>>
      tpu.wait_indirect_dma semaphore(%dma_wait3A_140 : memref<!tpu.dma_semaphore, #tpu.memory_space<semaphore_mem>>) src(%dma_wait3A_138 : memref<100000x1024xf32, #tpu.memory_space<hbm>>) dst(%dma_wait3A_133 : memref<16x1024xf32, #tpu.memory_space<vmem>>)
      %dma_wait3A_141 = arith.constant 0 : i32
      %dma_wait3A_142 = arith.constant 0 : i32
      %dma_wait3A_143 = tpu.memref_slice %arg16[%rem3A_129, %dma_wait3A_141, %dma_wait3A_142] : memref<2x16x1024xf32, #tpu.memory_space<vmem>> -> memref<1x16x1024xf32, #tpu.memory_space<vmem>>
      %dma_wait3A_144 = tpu.memref_squeeze %dma_wait3A_143 : memref<1x16x1024xf32, #tpu.memory_space<vmem>> -> memref<16x1024xf32, #tpu.memory_space<vmem>>
      %dma_wait3A_145 = arith.constant 0 : i32
      %dma_wait3A_146 = arith.constant 0 : i32
      %dma_wait3A_147 = tpu.memref_slice %arg5[%dma_wait3A_145, %dma_wait3A_146] : memref<2048x1024xf32, #tpu.memory_space<hbm>> -> memref<16x1024xf32, #tpu.memory_space<hbm>>
      %dma_wait3A_148 = tpu.memref_slice %arg20[%rem3A_129] : memref<2x!tpu.dma_semaphore, #tpu.memory_space<semaphore_mem>> -> memref<1x!tpu.dma_semaphore, #tpu.memory_space<semaphore_mem>>
      %dma_wait3A_149 = tpu.memref_squeeze %dma_wait3A_148 : memref<1x!tpu.dma_semaphore, #tpu.memory_space<semaphore_mem>> -> memref<!tpu.dma_semaphore, #tpu.memory_space<semaphore_mem>>
      %dma_wait3A_150 = arith.constant 0 : i32
      %dma_wait3A_151 = arith.constant 0 : i32
      %dma_wait3A_152 = tpu.memref_slice %arg16[%rem3A_129, %dma_wait3A_150, %dma_wait3A_151] : memref<2x16x1024xf32, #tpu.memory_space<vmem>> -> memref<1x16x1024xf32, #tpu.memory_space<vmem>>
      %dma_wait3A_153 = tpu.memref_squeeze %dma_wait3A_152 : memref<1x16x1024xf32, #tpu.memory_space<vmem>> -> memref<16x1024xf32, #tpu.memory_space<vmem>>
      %dma_wait3A_154 = arith.constant 0 : i32
      %dma_wait3A_155 = arith.constant 0 : i32
      %dma_wait3A_156 = tpu.memref_slice %arg5[%dma_wait3A_154, %dma_wait3A_155] : memref<2048x1024xf32, #tpu.memory_space<hbm>> -> memref<16x1024xf32, #tpu.memory_space<hbm>>
      tpu.wait_dma2 semaphore(%dma_wait3A_149 : memref<!tpu.dma_semaphore, #tpu.memory_space<semaphore_mem>>) src(%dma_wait3A_156 : memref<16x1024xf32, #tpu.memory_space<hbm>>) dst(%dma_wait3A_153 : memref<16x1024xf32, #tpu.memory_space<vmem>>)
      %ge3A = arith.constant 2 : i32
      %ge3A_157 = arith.cmpi sge, %scan3A_126, %ge3A : i32
      %convert_element_type3A = arith.extui %ge3A_157 : i1 to i32
      %cond3A = arith.constant 0 : i32
      %cond3A_158 = arith.cmpi ne, %convert_element_type3A, %cond3A : i32
      scf.if %cond3A_158 {
        %dma_wait3A_190 = arith.constant 0 : i32
        %dma_wait3A_191 = arith.constant 0 : i32
        %dma_wait3A_192 = tpu.memref_slice %arg17[%rem3A_129, %dma_wait3A_190, %dma_wait3A_191] : memref<2x16x1024xf32, #tpu.memory_space<vmem>> -> memref<1x16x1024xf32, #tpu.memory_space<vmem>>
        %dma_wait3A_193 = tpu.memref_squeeze %dma_wait3A_192 : memref<1x16x1024xf32, #tpu.memory_space<vmem>> -> memref<16x1024xf32, #tpu.memory_space<vmem>>
        %dma_wait3A_194 = arith.constant 0 : i32
        %dma_wait3A_195 = tpu.memref_slice %arg9[%mul3A_2, %dma_wait3A_194] : memref<8192x1024xf32, #tpu.memory_space<hbm>> -> memref<16x1024xf32, #tpu.memory_space<hbm>>
        %dma_wait3A_196 = tpu.memref_slice %arg21[%rem3A_129] : memref<2x!tpu.dma_semaphore, #tpu.memory_space<semaphore_mem>> -> memref<1x!tpu.dma_semaphore, #tpu.memory_space<semaphore_mem>>
        %dma_wait3A_197 = tpu.memref_squeeze %dma_wait3A_196 : memref<1x!tpu.dma_semaphore, #tpu.memory_space<semaphore_mem>> -> memref<!tpu.dma_semaphore, #tpu.memory_space<semaphore_mem>>
        %dma_wait3A_198 = arith.constant 0 : i32
        %dma_wait3A_199 = tpu.memref_slice %arg9[%mul3A_2, %dma_wait3A_198] : memref<8192x1024xf32, #tpu.memory_space<hbm>> -> memref<16x1024xf32, #tpu.memory_space<hbm>>
        %dma_wait3A_200 = arith.constant 0 : i32
        %dma_wait3A_201 = arith.constant 0 : i32
        %dma_wait3A_202 = tpu.memref_slice %arg17[%rem3A_129, %dma_wait3A_200, %dma_wait3A_201] : memref<2x16x1024xf32, #tpu.memory_space<vmem>> -> memref<1x16x1024xf32, #tpu.memory_space<vmem>>
        %dma_wait3A_203 = tpu.memref_squeeze %dma_wait3A_202 : memref<1x16x1024xf32, #tpu.memory_space<vmem>> -> memref<16x1024xf32, #tpu.memory_space<vmem>>
        tpu.wait_dma2 semaphore(%dma_wait3A_197 : memref<!tpu.dma_semaphore, #tpu.memory_space<semaphore_mem>>) src(%dma_wait3A_203 : memref<16x1024xf32, #tpu.memory_space<vmem>>) dst(%dma_wait3A_199 : memref<16x1024xf32, #tpu.memory_space<hbm>>)
      } else {
      }
      %scan3A_159 = arith.constant 0 : i32
      %scan3A_160 = arith.constant 0 : i32
      %scan3A_161 = arith.constant 16 : i32
      %scan3A_162 = arith.addi %scan3A_160, %scan3A_161 : i32
      %scan3A_163 = arith.constant 1 : i32
      %scan3A_164 = scf.for %scan3A_190 = %scan3A_160 to %scan3A_162 step %scan3A_163 iter_args(%scan3A_191 = %scan3A_159) -> (i32)  : i32 {
        %broadcast_in_dim3A = arith.constant 0.000000e+00 : f32
        %broadcast_in_dim3A_192 = vector.broadcast %broadcast_in_dim3A : f32 to vector<16xf32>
        %parallel_loop3A = arith.constant 0 : i32
        %parallel_loop3A_193 = arith.constant 64 : i32
        %parallel_loop3A_194 = arith.constant 1 : i32
        %parallel_loop3A_195:2 = scf.for %parallel_loop3A_249 = %parallel_loop3A to %parallel_loop3A_193 step %parallel_loop3A_194 iter_args(%parallel_loop3A_250 = %broadcast_in_dim3A_192, %parallel_loop3A_251 = %broadcast_in_dim3A_192) -> (vector<16xf32>, vector<16xf32>)  : i32 {
          %parallel_loop3A_252 = arith.constant 16 : i32
          %parallel_loop3A_253 = arith.muli %parallel_loop3A_249, %parallel_loop3A_252 : i32
          %parallel_loop3A_254 = arith.index_cast %rem3A_129 : i32 to index
          %parallel_loop3A_255 = arith.index_cast %scan3A_190 : i32 to index
          %parallel_loop3A_256 = arith.index_cast %parallel_loop3A_253 : i32 to index
          %parallel_loop3A_257 = tpu.vector_load %arg15[%parallel_loop3A_254, %parallel_loop3A_255, %parallel_loop3A_256] {strides = array<i32>} : memref<2x16x1024xf32, #tpu.memory_space<vmem>>, vector<16xf32>,
          %parallel_loop3A_258 = arith.index_cast %rem3A_129 : i32 to index
          %parallel_loop3A_259 = arith.index_cast %scan3A_190 : i32 to index
          %parallel_loop3A_260 = arith.index_cast %parallel_loop3A_253 : i32 to index
          %parallel_loop3A_261 = tpu.vector_load %arg16[%parallel_loop3A_258, %parallel_loop3A_259, %parallel_loop3A_260] {strides = array<i32>} : memref<2x16x1024xf32, #tpu.memory_space<vmem>>, vector<16xf32>,
          %parallel_loop3A_262 = arith.addf %parallel_loop3A_257, %parallel_loop3A_261 : vector<16xf32>
          %parallel_loop3A_263 = arith.index_cast %select_n3A : i32 to index
          %parallel_loop3A_264 = arith.index_cast %parallel_loop3A_253 : i32 to index
          %parallel_loop3A_265 = tpu.vector_load %arg12[%parallel_loop3A_263, %parallel_loop3A_264] {strides = array<i32>} : memref<8x1024xf32, #tpu.memory_space<vmem>>, vector<16xf32>,
          %parallel_loop3A_266 = arith.addf %parallel_loop3A_262, %parallel_loop3A_265 : vector<16xf32>
          %parallel_loop3A_267 = arith.index_cast %rem3A_129 : i32 to index
          %parallel_loop3A_268 = arith.index_cast %scan3A_190 : i32 to index
          %parallel_loop3A_269 = arith.index_cast %parallel_loop3A_253 : i32 to index
          %parallel_loop3A_270 = tpu.vector_load %arg17[%parallel_loop3A_267, %parallel_loop3A_268, %parallel_loop3A_269] {strides = array<i32>} : memref<2x16x1024xf32, #tpu.memory_space<vmem>>, vector<16xf32>,
          tpu.vector_store %arg17[%parallel_loop3A_267, %parallel_loop3A_268, %parallel_loop3A_269], %parallel_loop3A_266 {strides = array<i32>} : memref<2x16x1024xf32, #tpu.memory_space<vmem>>, vector<16xf32>,
          %parallel_loop3A_271 = arith.addf %parallel_loop3A_250, %parallel_loop3A_266 : vector<16xf32>
          %parallel_loop3A_272 = arith.mulf %parallel_loop3A_266, %parallel_loop3A_266 : vector<16xf32>
          %parallel_loop3A_273 = arith.addf %parallel_loop3A_251, %parallel_loop3A_272 : vector<16xf32>
          scf.yield %parallel_loop3A_271, %parallel_loop3A_273 : vector<16xf32>, vector<16xf32>
        } {sc.loop_unroll_factor = 8 : i64, sc.parallel_access}
        %reduce_sum3A = arith.constant true
        %reduce_sum3A_196 = vector.broadcast %reduce_sum3A : i1 to vector<16xi1>
        %reduce_sum3A_197 = tpu.scan <sum>, %parallel_loop3A_195#0 masked %reduce_sum3A_196 : vector<16xf32>, vector<16xi1> -> vector<16xf32>
        %reduce_sum3A_198 = vector.extract %reduce_sum3A_197[15] : f32 from vector<16xf32>
        %mul3A_199 = arith.constant 9.765625E-4 : f32
        %mul3A_200 = arith.mulf %reduce_sum3A_198, %mul3A_199 : f32
        %reduce_sum3A_201 = arith.constant true
        %reduce_sum3A_202 = vector.broadcast %reduce_sum3A_201 : i1 to vector<16xi1>
        %reduce_sum3A_203 = tpu.scan <sum>, %parallel_loop3A_195#1 masked %reduce_sum3A_202 : vector<16xf32>, vector<16xi1> -> vector<16xf32>
        %reduce_sum3A_204 = vector.extract %reduce_sum3A_203[15] : f32 from vector<16xf32>
        %mul3A_205 = arith.constant 9.765625E-4 : f32
        %mul3A_206 = arith.mulf %reduce_sum3A_204, %mul3A_205 : f32
        %mul3A_207 = arith.mulf %mul3A_200, %mul3A_200 : f32
        %sub3A_208 = arith.subf %mul3A_206, %mul3A_207 : f32
        %add3A_209 = arith.constant 9.99999974E-6 : f32
        %add3A_210 = arith.addf %sub3A_208, %add3A_209 : f32
        %broadcast_in_dim3A_211 = vector.broadcast %add3A_210 : f32 to vector<16xf32>
        %bitcast_convert_type3A = tpu.bitcast %broadcast_in_dim3A_211 : vector<16xf32> -> vector<16xi32>
        %shift_right_arithmetic3A = arith.constant 1 : i32
        %shift_right_arithmetic3A_212 = vector.broadcast %shift_right_arithmetic3A : i32 to vector<16xi32>
        %shift_right_arithmetic3A_213 = arith.shrsi %bitcast_convert_type3A, %shift_right_arithmetic3A_212 : vector<16xi32>
        %sub3A_214 = arith.constant 1597463007 : i32
        %sub3A_215 = vector.broadcast %sub3A_214 : i32 to vector<16xi32>
        %sub3A_216 = arith.subi %sub3A_215, %shift_right_arithmetic3A_213 : vector<16xi32>
        %bitcast_convert_type3A_217 = tpu.bitcast %sub3A_216 : vector<16xi32> -> vector<16xf32>
        %mul3A_218 = arith.constant 5.000000e-01 : f32
        %mul3A_219 = vector.broadcast %mul3A_218 : f32 to vector<16xf32>
        %mul3A_220 = arith.mulf %mul3A_219, %broadcast_in_dim3A_211 : vector<16xf32>
        %mul3A_221 = arith.mulf %mul3A_220, %bitcast_convert_type3A_217 : vector<16xf32>
        %mul3A_222 = arith.mulf %mul3A_221, %bitcast_convert_type3A_217 : vector<16xf32>
        %sub3A_223 = arith.constant 1.500000e+00 : f32
        %sub3A_224 = vector.broadcast %sub3A_223 : f32 to vector<16xf32>
        %sub3A_225 = arith.subf %sub3A_224, %mul3A_222 : vector<16xf32>
        %mul3A_226 = arith.mulf %bitcast_convert_type3A_217, %sub3A_225 : vector<16xf32>
        %mul3A_227 = arith.constant 5.000000e-01 : f32
        %mul3A_228 = vector.broadcast %mul3A_227 : f32 to vector<16xf32>
        %mul3A_229 = arith.mulf %mul3A_228, %broadcast_in_dim3A_211 : vector<16xf32>
        %mul3A_230 = arith.mulf %mul3A_229, %mul3A_226 : vector<16xf32>
        %mul3A_231 = arith.mulf %mul3A_230, %mul3A_226 : vector<16xf32>
        %sub3A_232 = arith.constant 1.500000e+00 : f32
        %sub3A_233 = vector.broadcast %sub3A_232 : f32 to vector<16xf32>
        %sub3A_234 = arith.subf %sub3A_233, %mul3A_231 : vector<16xf32>
        %mul3A_235 = arith.mulf %mul3A_226, %sub3A_234 : vector<16xf32>
        %mul3A_236 = arith.constant 5.000000e-01 : f32
        %mul3A_237 = vector.broadcast %mul3A_236 : f32 to vector<16xf32>
        %mul3A_238 = arith.mulf %mul3A_237, %broadcast_in_dim3A_211 : vector<16xf32>
        %mul3A_239 = arith.mulf %mul3A_238, %mul3A_235 : vector<16xf32>
        %mul3A_240 = arith.mulf %mul3A_239, %mul3A_235 : vector<16xf32>
        %sub3A_241 = arith.constant 1.500000e+00 : f32
        %sub3A_242 = vector.broadcast %sub3A_241 : f32 to vector<16xf32>
        %sub3A_243 = arith.subf %sub3A_242, %mul3A_240 : vector<16xf32>
        %mul3A_244 = arith.mulf %mul3A_235, %sub3A_243 : vector<16xf32>
        %parallel_loop3A_245 = arith.constant 0 : i32
        %parallel_loop3A_246 = arith.constant 64 : i32
        %parallel_loop3A_247 = arith.constant 1 : i32
        scf.for %parallel_loop3A_249 = %parallel_loop3A_245 to %parallel_loop3A_246 step %parallel_loop3A_247  : i32 {
          %parallel_loop3A_250 = arith.constant 16 : i32
          %parallel_loop3A_251 = arith.muli %parallel_loop3A_249, %parallel_loop3A_250 : i32
          %parallel_loop3A_252 = arith.index_cast %rem3A_129 : i32 to index
          %parallel_loop3A_253 = arith.index_cast %scan3A_190 : i32 to index
          %parallel_loop3A_254 = arith.index_cast %parallel_loop3A_251 : i32 to index
          %parallel_loop3A_255 = tpu.vector_load %arg17[%parallel_loop3A_252, %parallel_loop3A_253, %parallel_loop3A_254] {strides = array<i32>} : memref<2x16x1024xf32, #tpu.memory_space<vmem>>, vector<16xf32>,
          %parallel_loop3A_256 = vector.broadcast %mul3A_200 : f32 to vector<16xf32>
          %parallel_loop3A_257 = arith.subf %parallel_loop3A_255, %parallel_loop3A_256 : vector<16xf32>
          %parallel_loop3A_258 = arith.mulf %parallel_loop3A_257, %mul3A_244 : vector<16xf32>
          %parallel_loop3A_259 = arith.index_cast %parallel_loop3A_251 : i32 to index
          %parallel_loop3A_260 = tpu.vector_load %arg13[%parallel_loop3A_259] {strides = array<i32>} : memref<1024xf32, #tpu.memory_space<vmem>>, vector<16xf32>,
          %parallel_loop3A_261 = arith.mulf %parallel_loop3A_258, %parallel_loop3A_260 : vector<16xf32>
          %parallel_loop3A_262 = arith.index_cast %parallel_loop3A_251 : i32 to index
          %parallel_loop3A_263 = tpu.vector_load %arg14[%parallel_loop3A_262] {strides = array<i32>} : memref<1024xf32, #tpu.memory_space<vmem>>, vector<16xf32>,
          %parallel_loop3A_264 = arith.addf %parallel_loop3A_261, %parallel_loop3A_263 : vector<16xf32>
          %parallel_loop3A_265 = arith.index_cast %rem3A_129 : i32 to index
          %parallel_loop3A_266 = arith.index_cast %scan3A_190 : i32 to index
          %parallel_loop3A_267 = arith.index_cast %parallel_loop3A_251 : i32 to index
          %parallel_loop3A_268 = tpu.vector_load %arg17[%parallel_loop3A_265, %parallel_loop3A_266, %parallel_loop3A_267] {strides = array<i32>} : memref<2x16x1024xf32, #tpu.memory_space<vmem>>, vector<16xf32>,
          tpu.vector_store %arg17[%parallel_loop3A_265, %parallel_loop3A_266, %parallel_loop3A_267], %parallel_loop3A_264 {strides = array<i32>} : memref<2x16x1024xf32, #tpu.memory_space<vmem>>, vector<16xf32>,
        } {sc.loop_unroll_factor = 8 : i64, sc.parallel_access}
        %scan3A_248 = arith.constant 0 : i32
        scf.yield %scan3A_248 : i32
      }
      %scan3A_165 = arith.constant 16 : i32
      %mul3A_166 = arith.constant 16 : i32
      %mul3A_167 = arith.muli %scan3A_126, %mul3A_166 : i32
      %add3A_168 = arith.addi %mul3A_2, %mul3A_167 : i32
      %dma_start3A_169 = arith.constant 0 : i32
      %dma_start3A_170 = arith.constant 0 : i32
      %dma_start3A_171 = tpu.memref_slice %arg17[%rem3A_129, %dma_start3A_169, %dma_start3A_170] : memref<2x16x1024xf32, #tpu.memory_space<vmem>> -> memref<1x16x1024xf32, #tpu.memory_space<vmem>>
      %dma_start3A_172 = tpu.memref_squeeze %dma_start3A_171 : memref<1x16x1024xf32, #tpu.memory_space<vmem>> -> memref<16x1024xf32, #tpu.memory_space<vmem>>
      %dma_start3A_173 = arith.constant 0 : i32
      %dma_start3A_174 = tpu.memref_slice %arg9[%add3A_168, %dma_start3A_173] : memref<8192x1024xf32, #tpu.memory_space<hbm>> -> memref<16x1024xf32, #tpu.memory_space<hbm>>
      %dma_start3A_175 = tpu.memref_slice %arg21[%rem3A_129] : memref<2x!tpu.dma_semaphore, #tpu.memory_space<semaphore_mem>> -> memref<1x!tpu.dma_semaphore, #tpu.memory_space<semaphore_mem>>
      %dma_start3A_176 = tpu.memref_squeeze %dma_start3A_175 : memref<1x!tpu.dma_semaphore, #tpu.memory_space<semaphore_mem>> -> memref<!tpu.dma_semaphore, #tpu.memory_space<semaphore_mem>>
      %dma_start3A_177 = arith.constant 0 : i32
      %dma_start3A_178 = tpu.memref_slice %arg9[%add3A_168, %dma_start3A_177] : memref<8192x1024xf32, #tpu.memory_space<hbm>> -> memref<16x1024xf32, #tpu.memory_space<hbm>>
      %dma_start3A_179 = arith.constant 0 : i32
      %dma_start3A_180 = arith.constant 0 : i32
      %dma_start3A_181 = tpu.memref_slice %arg17[%rem3A_129, %dma_start3A_179, %dma_start3A_180] : memref<2x16x1024xf32, #tpu.memory_space<vmem>> -> memref<1x16x1024xf32, #tpu.memory_space<vmem>>
      %dma_start3A_182 = tpu.memref_squeeze %dma_start3A_181 : memref<1x16x1024xf32, #tpu.memory_space<vmem>> -> memref<16x1024xf32, #tpu.memory_space<vmem>>
      tpu.enqueue_dma source(%dma_start3A_182 : memref<16x1024xf32, #tpu.memory_space<vmem>>) target(%dma_start3A_178 : memref<16x1024xf32, #tpu.memory_space<hbm>>) target_semaphore(%dma_start3A_176 : memref<!tpu.dma_semaphore, #tpu.memory_space<semaphore_mem>>)
      %add3A_183 = arith.constant 2 : i32
      %add3A_184 = arith.addi %scan3A_126, %add3A_183 : i32
      %lt3A = arith.constant 16 : i32
      %lt3A_185 = arith.cmpi slt, %add3A_184, %lt3A : i32
      %convert_element_type3A_186 = arith.extui %lt3A_185 : i1 to i32
      %cond3A_187 = arith.constant 0 : i32
      %cond3A_188 = arith.cmpi ne, %convert_element_type3A_186, %cond3A_187 : i32
      scf.if %cond3A_188 {
        %add3A_190 = arith.constant 2 : i32
        %add3A_191 = arith.addi %scan3A_126, %add3A_190 : i32
        %mul3A_192 = arith.constant 16 : i32
        %mul3A_193 = arith.muli %add3A_191, %mul3A_192 : i32
        %dma_start3A_194 = arith.constant 0 : i32
        %dma_start3A_195 = arith.constant 0 : i32
        %dma_start3A_196 = tpu.memref_slice %arg15[%rem3A_129, %dma_start3A_194, %dma_start3A_195] : memref<2x16x1024xf32, #tpu.memory_space<vmem>> -> memref<1x16x1024xf32, #tpu.memory_space<vmem>>
        %dma_start3A_197 = tpu.memref_squeeze %dma_start3A_196 : memref<1x16x1024xf32, #tpu.memory_space<vmem>> -> memref<16x1024xf32, #tpu.memory_space<vmem>>
        %dma_start3A_198 = tpu.memref_slice %arg10[%mul3A_193] : memref<256xi32, #tpu.memory_space<vmem>> -> memref<16xi32, #tpu.memory_space<vmem>>
        %dma_start3A_199 = arith.constant 0 : i32
        %dma_start3A_200 = arith.constant 0 : i32
        %dma_start3A_201 = tpu.memref_slice %arg4[%dma_start3A_199, %dma_start3A_200] : memref<100000x1024xf32, #tpu.memory_space<hbm>> -> memref<100000x1024xf32, #tpu.memory_space<hbm>>
        %dma_start3A_202 = tpu.memref_slice %arg19[%rem3A_129] : memref<2x!tpu.dma_semaphore, #tpu.memory_space<semaphore_mem>> -> memref<1x!tpu.dma_semaphore, #tpu.memory_space<semaphore_mem>>
        %dma_start3A_203 = tpu.memref_squeeze %dma_start3A_202 : memref<1x!tpu.dma_semaphore, #tpu.memory_space<semaphore_mem>> -> memref<!tpu.dma_semaphore, #tpu.memory_space<semaphore_mem>>
        tpu.enqueue_indirect_dma source(%dma_start3A_201 : memref<100000x1024xf32, #tpu.memory_space<hbm>>) target(%dma_start3A_197 : memref<16x1024xf32, #tpu.memory_space<vmem>>) offsets(%dma_start3A_198 : memref<16xi32, #tpu.memory_space<vmem>>) semaphore(%dma_start3A_203 : memref<!tpu.dma_semaphore, #tpu.memory_space<semaphore_mem>>)
        %mul3A_204 = arith.constant 16 : i32
        %mul3A_205 = arith.muli %add3A_191, %mul3A_204 : i32
        %add3A_206 = arith.addi %sub3A_21, %mul3A_205 : i32
        %dma_start3A_207 = arith.constant 0 : i32
        %dma_start3A_208 = arith.constant 0 : i32
        %dma_start3A_209 = tpu.memref_slice %arg16[%rem3A_129, %dma_start3A_207, %dma_start3A_208] : memref<2x16x1024xf32, #tpu.memory_space<vmem>> -> memref<1x16x1024xf32, #tpu.memory_space<vmem>>
        %dma_start3A_210 = tpu.memref_squeeze %dma_start3A_209 : memref<1x16x1024xf32, #tpu.memory_space<vmem>> -> memref<16x1024xf32, #tpu.memory_space<vmem>>
        %dma_start3A_211 = arith.constant 0 : i32
        %dma_start3A_212 = tpu.memref_slice %arg5[%add3A_206, %dma_start3A_211] : memref<2048x1024xf32, #tpu.memory_space<hbm>> -> memref<16x1024xf32, #tpu.memory_space<hbm>>
        %dma_start3A_213 = tpu.memref_slice %arg20[%rem3A_129] : memref<2x!tpu.dma_semaphore, #tpu.memory_space<semaphore_mem>> -> memref<1x!tpu.dma_semaphore, #tpu.memory_space<semaphore_mem>>
        %dma_start3A_214 = tpu.memref_squeeze %dma_start3A_213 : memref<1x!tpu.dma_semaphore, #tpu.memory_space<semaphore_mem>> -> memref<!tpu.dma_semaphore, #tpu.memory_space<semaphore_mem>>
        %dma_start3A_215 = arith.constant 0 : i32
        %dma_start3A_216 = arith.constant 0 : i32
        %dma_start3A_217 = tpu.memref_slice %arg16[%rem3A_129, %dma_start3A_215, %dma_start3A_216] : memref<2x16x1024xf32, #tpu.memory_space<vmem>> -> memref<1x16x1024xf32, #tpu.memory_space<vmem>>
        %dma_start3A_218 = tpu.memref_squeeze %dma_start3A_217 : memref<1x16x1024xf32, #tpu.memory_space<vmem>> -> memref<16x1024xf32, #tpu.memory_space<vmem>>
        %dma_start3A_219 = arith.constant 0 : i32
        %dma_start3A_220 = tpu.memref_slice %arg5[%add3A_206, %dma_start3A_219] : memref<2048x1024xf32, #tpu.memory_space<hbm>> -> memref<16x1024xf32, #tpu.memory_space<hbm>>
        tpu.enqueue_dma source(%dma_start3A_220 : memref<16x1024xf32, #tpu.memory_space<hbm>>) target(%dma_start3A_218 : memref<16x1024xf32, #tpu.memory_space<vmem>>) target_semaphore(%dma_start3A_214 : memref<!tpu.dma_semaphore, #tpu.memory_space<semaphore_mem>>)
      } else {
      }
      %scan3A_189 = arith.constant 0 : i32
      scf.yield %scan3A_189 : i32
    }
    %scan3A_93 = arith.constant 16 : i32
    %dma_wait3A_94 = arith.constant 0 : i32
    %dma_wait3A_95 = arith.constant 0 : i32
    %dma_wait3A_96 = arith.constant 0 : i32
    %dma_wait3A_97 = arith.constant 0 : i32
    %dma_wait3A_98 = tpu.memref_slice %arg17[%dma_wait3A_94, %dma_wait3A_96, %dma_wait3A_97] : memref<2x16x1024xf32, #tpu.memory_space<vmem>> -> memref<1x16x1024xf32, #tpu.memory_space<vmem>>
    %dma_wait3A_99 = tpu.memref_squeeze %dma_wait3A_98 : memref<1x16x1024xf32, #tpu.memory_space<vmem>> -> memref<16x1024xf32, #tpu.memory_space<vmem>>
    %dma_wait3A_100 = arith.constant 0 : i32
    %dma_wait3A_101 = tpu.memref_slice %arg9[%mul3A_2, %dma_wait3A_100] : memref<8192x1024xf32, #tpu.memory_space<hbm>> -> memref<16x1024xf32, #tpu.memory_space<hbm>>
    %dma_wait3A_102 = tpu.memref_slice %arg21[%dma_wait3A_95] : memref<2x!tpu.dma_semaphore, #tpu.memory_space<semaphore_mem>> -> memref<1x!tpu.dma_semaphore, #tpu.memory_space<semaphore_mem>>
    %dma_wait3A_103 = tpu.memref_squeeze %dma_wait3A_102 : memref<1x!tpu.dma_semaphore, #tpu.memory_space<semaphore_mem>> -> memref<!tpu.dma_semaphore, #tpu.memory_space<semaphore_mem>>
    %dma_wait3A_104 = arith.constant 0 : i32
    %dma_wait3A_105 = tpu.memref_slice %arg9[%mul3A_2, %dma_wait3A_104] : memref<8192x1024xf32, #tpu.memory_space<hbm>> -> memref<16x1024xf32, #tpu.memory_space<hbm>>
    %dma_wait3A_106 = arith.constant 0 : i32
    %dma_wait3A_107 = arith.constant 0 : i32
    %dma_wait3A_108 = tpu.memref_slice %arg17[%dma_wait3A_94, %dma_wait3A_106, %dma_wait3A_107] : memref<2x16x1024xf32, #tpu.memory_space<vmem>> -> memref<1x16x1024xf32, #tpu.memory_space<vmem>>
    %dma_wait3A_109 = tpu.memref_squeeze %dma_wait3A_108 : memref<1x16x1024xf32, #tpu.memory_space<vmem>> -> memref<16x1024xf32, #tpu.memory_space<vmem>>
    tpu.wait_dma2 semaphore(%dma_wait3A_103 : memref<!tpu.dma_semaphore, #tpu.memory_space<semaphore_mem>>) src(%dma_wait3A_109 : memref<16x1024xf32, #tpu.memory_space<vmem>>) dst(%dma_wait3A_105 : memref<16x1024xf32, #tpu.memory_space<hbm>>)
    %dma_wait3A_110 = arith.constant 1 : i32
    %dma_wait3A_111 = arith.constant 1 : i32
    %dma_wait3A_112 = arith.constant 0 : i32
    %dma_wait3A_113 = arith.constant 0 : i32
    %dma_wait3A_114 = tpu.memref_slice %arg17[%dma_wait3A_110, %dma_wait3A_112, %dma_wait3A_113] : memref<2x16x1024xf32, #tpu.memory_space<vmem>> -> memref<1x16x1024xf32, #tpu.memory_space<vmem>>
    %dma_wait3A_115 = tpu.memref_squeeze %dma_wait3A_114 : memref<1x16x1024xf32, #tpu.memory_space<vmem>> -> memref<16x1024xf32, #tpu.memory_space<vmem>>
    %dma_wait3A_116 = arith.constant 0 : i32
    %dma_wait3A_117 = tpu.memref_slice %arg9[%mul3A_2, %dma_wait3A_116] : memref<8192x1024xf32, #tpu.memory_space<hbm>> -> memref<16x1024xf32, #tpu.memory_space<hbm>>
    %dma_wait3A_118 = tpu.memref_slice %arg21[%dma_wait3A_111] : memref<2x!tpu.dma_semaphore, #tpu.memory_space<semaphore_mem>> -> memref<1x!tpu.dma_semaphore, #tpu.memory_space<semaphore_mem>>
    %dma_wait3A_119 = tpu.memref_squeeze %dma_wait3A_118 : memref<1x!tpu.dma_semaphore, #tpu.memory_space<semaphore_mem>> -> memref<!tpu.dma_semaphore, #tpu.memory_space<semaphore_mem>>
    %dma_wait3A_120 = arith.constant 0 : i32
    %dma_wait3A_121 = tpu.memref_slice %arg9[%mul3A_2, %dma_wait3A_120] : memref<8192x1024xf32, #tpu.memory_space<hbm>> -> memref<16x1024xf32, #tpu.memory_space<hbm>>
    %dma_wait3A_122 = arith.constant 0 : i32
    %dma_wait3A_123 = arith.constant 0 : i32
    %dma_wait3A_124 = tpu.memref_slice %arg17[%dma_wait3A_110, %dma_wait3A_122, %dma_wait3A_123] : memref<2x16x1024xf32, #tpu.memory_space<vmem>> -> memref<1x16x1024xf32, #tpu.memory_space<vmem>>
    %dma_wait3A_125 = tpu.memref_squeeze %dma_wait3A_124 : memref<1x16x1024xf32, #tpu.memory_space<vmem>> -> memref<16x1024xf32, #tpu.memory_space<vmem>>
    tpu.wait_dma2 semaphore(%dma_wait3A_119 : memref<!tpu.dma_semaphore, #tpu.memory_space<semaphore_mem>>) src(%dma_wait3A_125 : memref<16x1024xf32, #tpu.memory_space<vmem>>) dst(%dma_wait3A_121 : memref<16x1024xf32, #tpu.memory_space<hbm>>)
    return
  }
}

</mosaic_0001>

<sc_bundles>
// kernel: _run.3.cloned.1.call-start
scs
__scs_entry_jumppad:
0x0: {  	(pc) =	sbr.rel $0x88, $3  }
0x1: {  	(tag) =	ssettag $0x0;
	lr =	simm.s32 $0x1  }
0x2: {  	[smem:$0x3F9A] =	sst lr;
	_ =	strace $0xD0000000  }
0x3: {  	_ = 	snop  }
0x4: {  	_ = 	snop  }
0x5: {  	_ = 	snop  }
0x6: {  	_ = 	snop  }
0x7: {  	_ = 	snop  }
__scs_overlays_trampoline_lowered:
0x8: {  	[smem:$0x3FA9] =	sst s0  }
0x9: {  	[smem:$0x3FAA] =	sst s1  }
0xa: {  	[smem:$0x3FAB] =	sst s2  }
0xb: {  	[smem:$0x3FAC] =	sst s3  }
0xc: {  	[smem:$0x3FAD] =	sst s4  }
0xd: {  	[smem:$0x3FAE] =	sst s5  }
0xe: {  	[smem:$0x3FAF] =	sst s6  }
0xf: {  	[smem:$0x3FB0] =	sst s7  }
0x10: {  	[smem:$0x3FB1] =	sst s8  }
0x11: {  	[smem:$0x3FB2] =	sst s9;
	s0 =	simm.s32 @!p0 $0x0  }
0x12: {  	s1 =	sld [smem:$0x3F98];
	s0 =	simm.s32 @p0 $0x1  }
0x13: {  	[smem:$0x3FB3] =	sst s0;
	s0 =	simm.s32 @!p1 $0x0  }
0x14: {  	s2 =	sld [smem:$0x3F97];
	s0 =	simm.s32 @p1 $0x1  }
0x15: {  	[smem:$0x3FB4] =	sst s0;
	s0 =	simm.s32 @!p2 $0x0  }
0x16: {  	s3 =	sld [smem:$0x3FDB];
	s0 =	simm.s32 @p2 $0x1  }
0x17: {  	s4 =	simm.s32 $0x1BF5;
	[smem:$0x3FB6] =	sst s0  }
0x18: {  	s0 =	sld [smem:$0x3F99];
	_ =	swait.ge [sflag:s4], $0x0  }
0x19: {  	s7 =	sld [smem:$0x3F9A]  }
0x1a: {  	s8 =	sadd.s32 $0xFFFFE003, lr  }
0x1b: {  	s9 =	sadd.s32 $0xFFFFFEF7, lr;
	s5 =	simm.s32 $0xFFFFFFFF;
	p2 =	slt.u32 s8, $0xFFFFF086  }
0x1c: {  	p1 =	slt.u32 s9, $0xF7A;
	s5 =	simm.s32 @!p2 $0x0  }
0x1d: {  	s5 =	simm.s32 @p1 $0x1;
	p0 =	seq.s32 s7, s2  }
0x1e: {  	s7 =	smul.u32 @!p0 $0xF7A, s2;
	p2 =	seq.s32 @!p0 s5, $0x0  }
0x1f: {  	s9 =	smul.u32 $0xF7A, s1;
	s8 =	simm.s32 @!p0 $0x1BF5;
	p2 =	por !p2, p0  }
0x20: {  	[sflag:s8] =	ssyncset.s32 @!p0 $0xFFFFF086;
	s6 =	sadd.s32 @!p0 s3, s7;
	s7 =	simm.s32 @!p0 $0x108  }
0x21: {  	s3 =	sadd.s32 s3, s9;
	s6 =	sadd.s32 @!p0 $0x88, s6;
	s7 =	simm.s32 @p2 $0x1082  }
0x22: {  	[simem:s7], [sflag:s8] =	dma.local @!p0 [hbm:s6], $0xF7A  }
0x23: {  	s9 =	sor.u32 $0xD0000000, s2;
	s6 =	simm.s32 $0x108;
	_ =	swait.ge @!p0 [sflag:s8], $0x0  }
0x24: {  	s3 =	sadd.s32 $0x88, s3;
	s6 =	simm.s32 @!p1 $0x1082;
	[sflag:s4] =	ssyncset.s32 $0xFFFFF086  }
0x25: {  	[simem:s6], [sflag:s4] =	dma.local [hbm:s3], $0xF7A  }
0x26: {  	[smem:$0x3F9A] =	sst s1;
	(tag) =	ssettag s2;
	_ =	strace s9  }
0x27: {  	s1 =	sld [smem:$0x3FAA]  }
0x28: {  	s2 =	sld [smem:$0x3FAB]  }
0x29: {  	s4 =	sld [smem:$0x3FAD]  }
0x2a: {  	p0 =	seq.s32 s5, $0x0;
	s5 =	sld [smem:$0x3FAE]  }
0x2b: {  	s6 =	sld [smem:$0x3FAF]  }
0x2c: {  	s7 =	sld [smem:$0x3FB0]  }
0x2d: {  	s3 =	simm.s32 $0x108;
	s8 =	sld [smem:$0x3FB1]  }
0x2e: {  	s3 =	simm.s32 @!p0 $0x1082;
	s9 =	sld [smem:$0x3FB2]  }
0x2f: {  	lr =	sadd.s32 s0, s3;
	s0 =	sld [smem:$0x3FA9]  }
0x30: {  	s3 =	sld [smem:$0x3FAC]  }
0x31: {  	[smem:$0x3FB5] =	sst s10  }
0x32: {  	s10 =	sld [smem:$0x3FB3];
	_ =	sdelay $0x3  }
0x33: {  	p0 =	seq.s32 s10, $0x1;
	s10 =	sld [smem:$0x3FB5];
	_ =	sdelay $0x3  }
0x34: {  	[smem:$0x3FB5] =	sst s10  }
0x35: {  	s10 =	sld [smem:$0x3FB4];
	_ =	sdelay $0x3  }
0x36: {  	p1 =	seq.s32 s10, $0x1;
	s10 =	sld [smem:$0x3FB5];
	_ =	sdelay $0x3  }
0x37: {  	[smem:$0x3FB5] =	sst s10  }
0x38: {  	s10 =	sld [smem:$0x3FB6]  }
0x39: {  	_ = 	snop;
	(pc) =	sbr.ind lr, $3  }
0x3a: {  	_ = 	snop  }
0x3b: {  	_ = 	snop  }
0x3c: {  	p2 =	seq.s32 s10, $0x1;
	s10 =	sld [smem:$0x3FB5]  }
0x3d: {  	_ =	shalt  }
0x3e: {  	_ =	shalt  }
0x3f: {  	_ =	shalt  }
0x40: {  	_ =	shalt  }
0x41: {  	_ =	shalt  }
0x42: {  	_ =	shalt  }
0x43: {  	_ =	shalt  }
0x44: {  	_ =	shalt  }
0x45: {  	_ =	shalt  }
0x46: {  	_ =	shalt  }
0x47: {  	_ =	shalt  }
0x48: {  	_ =	shalt  }
0x49: {  	_ =	shalt  }
0x4a: {  	_ =	shalt  }
0x4b: {  	_ =	shalt  }
0x4c: {  	_ =	shalt  }
0x4d: {  	_ =	shalt  }
0x4e: {  	_ =	shalt  }
0x4f: {  	_ =	shalt  }
0x50: {  	_ =	shalt  }
0x51: {  	_ =	shalt  }
0x52: {  	_ =	shalt  }
0x53: {  	_ =	shalt  }
0x54: {  	_ =	shalt  }
0x55: {  	_ =	shalt  }
0x56: {  	_ =	shalt  }
0x57: {  	_ =	shalt  }
0x58: {  	_ =	shalt  }
0x59: {  	_ =	shalt  }
0x5a: {  	_ =	shalt  }
0x5b: {  	_ =	shalt  }
0x5c: {  	_ =	shalt  }
0x5d: {  	_ =	shalt  }
0x5e: {  	_ =	shalt  }
0x5f: {  	_ =	shalt  }
0x60: {  	_ =	shalt  }
0x61: {  	_ =	shalt  }
0x62: {  	_ =	shalt  }
0x63: {  	_ =	shalt  }
0x64: {  	_ =	shalt  }
0x65: {  	_ =	shalt  }
0x66: {  	_ =	shalt  }
0x67: {  	_ =	shalt  }
0x68: {  	_ =	shalt  }
0x69: {  	_ =	shalt  }
0x6a: {  	_ =	shalt  }
0x6b: {  	_ =	shalt  }
0x6c: {  	_ =	shalt  }
0x6d: {  	_ =	shalt  }
0x6e: {  	_ =	shalt  }
0x6f: {  	_ =	shalt  }
0x70: {  	_ =	shalt  }
0x71: {  	_ =	shalt  }
0x72: {  	_ =	shalt  }
0x73: {  	_ =	shalt  }
0x74: {  	_ =	shalt  }
0x75: {  	_ =	shalt  }
0x76: {  	_ =	shalt  }
0x77: {  	_ =	shalt  }
0x78: {  	_ =	shalt  }
0x79: {  	_ =	shalt  }
0x7a: {  	_ =	shalt  }
0x7b: {  	_ =	shalt  }
0x7c: {  	_ =	shalt  }
0x7d: {  	_ =	shalt  }
0x7e: {  	_ =	shalt  }
0x7f: {  	_ =	shalt  }
0x80: {  	_ =	shalt  }
0x81: {  	_ =	shalt  }
0x82: {  	_ =	shalt  }
0x83: {  	_ =	shalt  }
0x84: {  	_ =	shalt  }
0x85: {  	_ =	shalt  }
0x86: {  	_ =	shalt  }
0x87: {  	_ =	shalt  }
.Lfunc_end0:
.L_simem_size_0:
called_computation_lowered:
.L_overlay_start_0:
0x88: {  	s2 =	sld [smem:$0x3FD9]  }
0x89: {  	s3 =	sld [smem:$0x3FFE];
	_ =	sdelay $0x1  }
0x8a: {  	s1 =	srdreg.scid  }
0x8b: {  	s0 =	sand.u32 $0x1, s1  }
0x8c: {  	s18 =	sshll.u32 s0, $0xA;
	s2 =	sadd.s32 s3, s2  }
0x8d: {  	s2 =	sadd.s32 s2, s18  }
0x8e: {  	[smem:$0x3FC1] =	sst s2  }
0x8f: {  	_ = 	snop  }
0x90: {  	s2 =	sld [smem:$0x3FC9]  }
0x91: {  	s19 =	sld [smem:$0x3FC8]  }
0x92: {  	s4 =	sld [smem:$0x3FC7]  }
0x93: {  	s5 =	sld [smem:$0x3FC6]  }
0x94: {  	s6 =	sld [smem:$0x3FC5]  }
0x95: {  	s7 =	sld [smem:$0x3FC4]  }
0x96: {  	s8 =	sld [smem:$0x3FC3]  }
0x97: {  	s9 =	sld [smem:$0x3FD0];
	(tm) =	ssettm $0x1  }
0x98: {  	s10 =	sld [smem:$0x3FFB];
	_ =	sdelay $0x3  }
0x99: {  	_ =	strace s10  }
0x9a: {  	s10 =	sld [smem:$0x3FFC];
	_ =	sdelay $0x3  }
0x9b: {  	_ =	strace s10  }
0x9c: {  	s10 =	sld [smem:$0x3FFD];
	_ =	sdelay $0x3  }
0x9d: {  	_ =	strace s10  }
0x9e: {  	_ =	strace $0x8FFFFFFF  }
0x9f: {  	s20 =	sld [smem:$0x3FDB];
	_ =	sdelay $0x1  }
0xa0: {  	s11 =	simm.s32 $_scs_section_size  }
0xa1: {  	s12 =	simm.s32 $_size__tile_overlayer_lowered;
	s13 =	simm.s32 $_tile_overlayer_lowered  }
0xa2: {  	s23 =	simm.s32 $0x1BFF;
	s22 =	sshll.u32 s13, $0x1;
	s10 =	sadd.s32 s11, s20  }
0xa3: {  	s14 =	simm.s32 $0x0;
	s21 =	sshll.u32 s12, $0x1;
	s12 =	sadd.s32 s22, s10  }
0xa4: {  	[timem:s14], [sflag:s23] =	dma.local [hbm:s12], s21  }
0xa5: {  	_ =	swait.ge [sflag:s23], s21  }
0xa6: {  	s11 =	ssub.s32 $0x0, s21;
	[sflag:s23] =	ssyncset.done $0x0  }
0xa7: {  	[sflag:s23] =	ssyncadd.s32 s11;
	_ =	sdelay $0x1  }
0xa8: {  	s24 =	simm.s32 $0x1B8B  }
0xa9: {  	_ =	swait.ge [sflag:s24], $0x1  }
0xaa: {  	[sflag:s24] =	ssyncset.done $0x0  }
0xab: {  	s25 =	simm.s32 $0x1B8E;
	[sflag:s24] =	ssyncadd.s32 $0xFFFFFFFF  }
0xac: {  	s26 =	simm.s32 $execute0_lowered;
	[smem:$0x3FD2] =	sst s25  }
0xad: {  	s11 =	sshll.u32 s26, $0x1;
	_ =	strace $0x80000046;
	[dreg:$0x1] =	wrdreg $0xFFFFFFFF  }
0xae: {  	s28 =	simm.s32 $_size_execute0_lowered;
	s10 =	sadd.s32 s10, s11;
	[dreg:$0x0] =	wrdreg $0x0  }
0xaf: {  	s11 =	sshll.u32 s28, $0x1;
	[dreg:$0x2] =	wrdreg s10  }
0xb0: {  	[dreg:$0x3] =	wrdreg s11  }
0xb1: {  	[dreg:$0x4] =	wrdreg $0xC0  }
0xb2: {  	_ =	task [dreg:s14], $0x5FFFF  }
0xb3: {  	[dreg:$0x1] =	wrdreg $0xFFFFFFFF  }
0xb4: {  	[dreg:$0x0] =	wrdreg $0x60  }
0xb5: {  	[dreg:$0x2] =	wrdreg s2  }
0xb6: {  	[dreg:$0x3] =	wrdreg s19  }
0xb7: {  	[dreg:$0x4] =	wrdreg s4  }
0xb8: {  	[dreg:$0x5] =	wrdreg s5  }
0xb9: {  	[dreg:$0x6] =	wrdreg s6  }
0xba: {  	[dreg:$0x7] =	wrdreg s7  }
0xbb: {  	[dreg:$0x8] =	wrdreg s8  }
0xbc: {  	[dreg:$0x9] =	wrdreg s9  }
0xbd: {  	[dreg:$0xa] =	wrdreg $0x9  }
0xbe: {  	_ =	task.clear_ibuf [dreg:s14], $0xBFFFF;
	_ =	strace $0x90000046  }
0xbf: {  	s29 =	simm.s32 $0x9;
	_ =	strace $0x80000048  }
0xc0: {  	_ =	swait.ge [sflag:s29], $0x1  }
0xc1: {  	[sflag:s29] =	ssyncadd.s32 $0xFFFFFFFF  }
0xc2: {  	_ =	strace $0x90000048  }
0xc3: {  	_ =	sfence  }
0xc4: {  	s30 =	sld [smem:$0x0];
	_ =	sdelay $0x2  }
0xc5: {  	s31 =	sshll.u32 s1, $0xD;
	s1 =	sshrl.u32 s1, $0x2  }
0xc6: {  	s3 =	sand.u32 $0x4000, s31;
	s1 =	sadd.s32 s1, s30  }
0xc7: {  	s0 =	sor.u32 s3, s0;
	s1 =	sshll.u32 s1, $0x11  }
0xc8: {  	s0 =	sor.u32 s1, s0  }
0xc9: {  	s0 =	sadd.s32 $0x8F2B, s0  }
0xca: {  	[sflag:s0] =	ssyncadd.remote.s32 $0x1  }
0xcb: {  	_ =	sfence.sel $0xFFFF  }
0xcc: {  	[dreg:$0x0] =	wrdreg $0xFFFFFFFF;
	(pc) =	sbr.abs _section_cstart, $3  }
0xcd: {  	[dreg:$0x1] =	wrdreg $0xFFFFFFFF  }
0xce: {  	_ =	task.clear_ibuf [dreg:s14], $0x2FFFF;
	_ =	strace $0x9FFFFFFF  }
0xcf: {  	(tm) =	ssettm $0x7FFFFFFF  }
tec
execute0_lowered:
.L_overlay_start_1:
0x0: {  	(tag) =	ssettag $0x1  }
0x1: {  	s0 =	rddreg [dreg:$0x0]  }
0x2: {  	s1 =	rddreg [dreg:$0x2]  }
0x3: {  	s3 =	rddreg [dreg:$0x3]  }
0x4: {  	s10 =	rddreg [dreg:$0x4]  }
0x5: {  	s2 =	rddreg [dreg:$0x7]  }
0x6: {  	s4 =	srdreg.scid;
	s11 =	stileid.u32  }
0x7: {  	s8 =	simm.s32 $0x0;
	s22 =	simm.s32 $0x8;
	s4 =	sand.u32 $0x1, s4  }
0x8: {  	s5 =	sshll.u32 s11, $0x9;
	[smem:$0x7FF] =	sst s8;
	s24 =	sadd.s32 $0x100, s10  }
0x9: {  	s25 =	sadd.s32 $0x200, s10;
	s26 =	sadd.s32 $0x300, s10;
	s14 =	sadd.s32 $0x100, s1  }
0xa: {  	s15 =	sadd.s32 $0x200, s1;
	_ =	strace $0x80000047;
	[dreg:$0xa] =	wrdreg s24  }
0xb: {  	s16 =	sadd.s32 $0x300, s1;
	s30 =	sshll.u32 s11, $0x5;
	[dreg:$0xb] =	wrdreg s25  }
0xc: {  	s6 =	sshll.u32 s4, $0x8;
	s4 =	ssub.s32 $0x2, s4;
	[dreg:$0xc] =	wrdreg s26  }
0xd: {  	s24 =	simm.s32 $0x6;
	s25 =	simm.s32 $0x7;
	s5 =	sor.u32 s6, s5  }
0xe: {  	s26 =	simm.s32 $0x0;
	s23 =	sshrl.u32 s4, $0x1;
	s7 =	sshrl.u32 s5, $0x3  }
0xf: {  	s4 =	ssub.s32 s4, s23;
	s9 =	sand.u32 $0x700, s5;
	s0 =	sadd.s32 s0, s7  }
0x10: {  	s28 =	sshll.u32 s9, $0x7;
	s31 =	smax.u32 s4, $0x1;
	[dreg:$0x9] =	wrdreg s0  }
0x11: {  	v2 =	vlaneseq.u32;
	s5 =	sshll.u32 s5, $0x7;
	s29 =	sadd.s32 s3, s28;
	[dreg:$0xf] =	wrdreg s31  }
0x12: {  	vm0 =	vmmov $0xffff;
	v1 =	vshrl.u32 v2, $0x3;
	s0 =	sand.u32 $0x180, s30;
	[dreg:$0xd] =	wrdreg s29;
	s6 =	sadd.s32 $0x800, s29  }
0x13: {  	v0 =	vand.u32 $0x7, v2;
	v2 =	vor.u32 $0x8, v2;
	v1 =	vmul.u32 $0x8, v1;
	s19 =	sadd.s32 s2, s5;
	s21 =	sadd.s32 $0x1C0, s0;
	[dreg:$0xe] =	wrdreg s6  }
.LBB2_1:
0x14: {  	s0 =	rddreg [dreg:$0x9]  }
0x15: {  	[tilespmem:s8], [sflag:$0x8] =	stream.linear.gather [hbm4b:s0+s8], $0x100, $0x38;
	[tilespmem:$0x1A980] =	vst v63  }
0x16: {  	_ =	swait.ge [sflag:s22], $0x100  }
0x17: {  	[sflag:s22] =	ssyncset.done $0x0  }
0x18: {  	[sflag:s22] =	ssyncadd.s32 $0xFFFFFF00  }
0x19: {  	s2 =	simm.s32 $0x2180;
	s29 =	rddreg [dreg:$0x5]  }
0x1a: {  	[tilespmem:s2], [sflag:$0x8] =	stream.linear.gather [hbm4b:s29+s8], $0x400, $0x38;
	[tilespmem:$0x1A980] =	vst v63  }
0x1b: {  	_ =	swait.ge [sflag:s22], $0x400  }
0x1c: {  	[sflag:s22] =	ssyncset.done $0x0  }
0x1d: {  	[sflag:s22] =	ssyncadd.s32 $0xFFFFFC00  }
0x1e: {  	s31 =	simm.s32 $0x2580;
	s30 =	rddreg [dreg:$0x6]  }
0x1f: {  	[tilespmem:s31], [sflag:$0x8] =	stream.linear.gather [hbm4b:s30+s8], $0x400, $0x38;
	[tilespmem:$0x1A980] =	vst v63  }
0x20: {  	_ =	swait.ge [sflag:s22], $0x400  }
0x21: {  	[sflag:s22] =	ssyncset.done $0x0  }
0x22: {  	[sflag:s22] =	ssyncadd.s32 $0xFFFFFC00  }
0x23: {  	s5 =	simm.s32 $0x100;
	s4 =	rddreg [dreg:$0x1]  }
0x24: {  	[tilespmem:s5], [sflag:$0x8] =	stream.linear.gather [hbm4b:s4+s8], $0x80, $0x38;
	[tilespmem:$0x1A980] =	vst v63  }
0x25: {  	_ =	swait.ge [sflag:s22], $0x80  }
0x26: {  	[sflag:s22] =	ssyncset.done $0x0  }
0x27: {  	[sflag:s22] =	ssyncadd.s32 $0xFFFFFF80  }
0x28: {  	v3 =	vld.msk [tilespmem:$0x100], $0xff;
	_ =	sdelay $0x4  }
0x29: {  	v4 =	vshll.u32 v3, $0x3  }
0x2a: {  	v3 =	vand.u32 $0x7, v3;
	v4 =	vand.u32 $0xFFFFFFC0, v4  }
0x2b: {  	v3 =	vor.u32 v3, v4  }
0x2c: {  	v3 =	vperm.xlane v3, v0;
	_ =	sdelay $0x1  }
0x2d: {  	v3 =	vadd.s32 v1, v3;
	_ =	sdelay $0x3  }
0x2e: {  	s7 =	simm.s32 $0x180;
	s6 =	rddreg [dreg:$0x4]  }
0x2f: {  	[tilespmem:s7], [sflag:$0x1] =	stream.indirect_vreg.gather [hbm4b:s6+s8], $0x80, v3, vm0, $0xb8;
	[tilespmem:$0x1A980] =	vst v63  }
0x30: {  	s11 =	simm.s32 $0x980;
	s10 =	rddreg [dreg:$0xa]  }
0x31: {  	[tilespmem:s11], [sflag:$0x1] =	stream.indirect_vreg.gather [hbm4b:s10+s8], $0x80, v3, vm0, $0xb8;
	[tilespmem:$0x1A980] =	vst v63  }
0x32: {  	s13 =	simm.s32 $0x1180;
	s12 =	rddreg [dreg:$0xb]  }
0x33: {  	[tilespmem:s13], [sflag:$0x1] =	stream.indirect_vreg.gather [hbm4b:s12+s8], $0x80, v3, vm0, $0xb8;
	[tilespmem:$0x1A980] =	vst v63  }
0x34: {  	s18 =	simm.s32 $0x1980;
	s20 =	simm.s32 $0x1;
	s17 =	rddreg [dreg:$0xc]  }
0x35: {  	[tilespmem:s18], [sflag:$0x1] =	stream.indirect_vreg.gather [hbm4b:s17+s8], $0x80, v3, vm0, $0xb8;
	[tilespmem:$0x1A980] =	vst v63  }
0x36: {  	_ =	swait.ge [sflag:s20], $0x2000  }
0x37: {  	[sflag:s20] =	ssyncset.done $0x0  }
0x38: {  	[sflag:s20] =	ssyncadd.s32 $0xFFFFE000  }
0x39: {  	v3 =	vld [tilespmem:$0x0];
	_ =	sdelay $0x4  }
0x3a: {  	v62 =	vshll.u32 v3, $0x3  }
0x3b: {  	v3 =	vand.u32 $0x7, v3;
	v4 =	vand.u32 $0xFFFFFFC0, v62  }
0x3c: {  	v3 =	vor.u32 v3, v4  }
0x3d: {  	v4 =	vperm.xlane v3, v0;
	_ =	sdelay $0x1  }
0x3e: {  	v4 =	vadd.s32 v1, v4;
	_ =	sdelay $0x3  }
0x3f: {  	s23 =	simm.s32 $0x2980  }
0x40: {  	[tilespmem:s23], [sflag:$0x2] =	stream.indirect_vreg.gather [hbm4b:s1+s8], $0x80, v4, vm0, $0xb8;
	[tilespmem:$0x1A980] =	vst v63  }
0x41: {  	s29 =	simm.s32 $0x3180;
	v3 =	vperm.xlane v3, v2  }
0x42: {  	[tilespmem:s29], [sflag:$0x2] =	stream.indirect_vreg.gather [hbm4b:s14+s8], $0x80, v4, vm0, $0xb8;
	[tilespmem:$0x1A980] =	vst v63  }
0x43: {  	s30 =	simm.s32 $0x3980;
	v3 =	vadd.s32 v1, v3  }
0x44: {  	[tilespmem:s30], [sflag:$0x2] =	stream.indirect_vreg.gather [hbm4b:s15+s8], $0x80, v4, vm0, $0xb8;
	[tilespmem:$0x1A980] =	vst v63  }
0x45: {  	s31 =	simm.s32 $0x4180  }
0x46: {  	[tilespmem:s31], [sflag:$0x2] =	stream.indirect_vreg.gather [hbm4b:s16+s8], $0x80, v4, vm0, $0xb8;
	[tilespmem:$0x1A980] =	vst v63  }
0x47: {  	s2 =	simm.s32 $0x4980  }
0x48: {  	[tilespmem:s2], [sflag:$0x2] =	stream.indirect_vreg.gather [hbm4b:s1+s8], $0x80, v3, vm0, $0xb8;
	[tilespmem:$0x1A980] =	vst v63  }
0x49: {  	s4 =	simm.s32 $0x5180  }
0x4a: {  	[tilespmem:s4], [sflag:$0x2] =	stream.indirect_vreg.gather [hbm4b:s14+s8], $0x80, v3, vm0, $0xb8;
	[tilespmem:$0x1A980] =	vst v63  }
0x4b: {  	s5 =	simm.s32 $0x5980  }
0x4c: {  	[tilespmem:s5], [sflag:$0x2] =	stream.indirect_vreg.gather [hbm4b:s15+s8], $0x80, v3, vm0, $0xb8;
	[tilespmem:$0x1A980] =	vst v63  }
0x4d: {  	s6 =	simm.s32 $0x6180  }
0x4e: {  	[tilespmem:s6], [sflag:$0x2] =	stream.indirect_vreg.gather [hbm4b:s16+s8], $0x80, v3, vm0, $0xb8;
	[tilespmem:$0x1A980] =	vst v63  }
0x4f: {  	s10 =	simm.s32 $0xA980;
	s7 =	rddreg [dreg:$0xd]  }
0x50: {  	[tilespmem:s10], [sflag:$0x4] =	stream.linear.gather [hbm4b:s7+s8], $0x4000, $0x38;
	[tilespmem:$0x1A980] =	vst v63  }
0x51: {  	v3 =	vld [tilespmem:$0x10];
	_ =	sdelay $0x4  }
0x52: {  	v63 =	vshll.u32 v3, $0x3  }
0x53: {  	v3 =	vand.u32 $0x7, v3;
	v4 =	vand.u32 $0xFFFFFFC0, v63  }
0x54: {  	v3 =	vor.u32 v3, v4  }
0x55: {  	v4 =	vperm.xlane v3, v0;
	_ =	sdelay $0x1  }
0x56: {  	v4 =	vadd.s32 v1, v4;
	_ =	sdelay $0x3  }
0x57: {  	s11 =	simm.s32 $0x6980  }
0x58: {  	[tilespmem:s11], [sflag:$0x3] =	stream.indirect_vreg.gather [hbm4b:s1+s8], $0x80, v4, vm0, $0xb8;
	[tilespmem:$0x1A980] =	vst v63  }
0x59: {  	s12 =	simm.s32 $0x7180;
	v3 =	vperm.xlane v3, v2  }
0x5a: {  	[tilespmem:s12], [sflag:$0x3] =	stream.indirect_vreg.gather [hbm4b:s14+s8], $0x80, v4, vm0, $0xb8;
	[tilespmem:$0x1A980] =	vst v63  }
0x5b: {  	s13 =	simm.s32 $0x7980;
	v3 =	vadd.s32 v1, v3  }
0x5c: {  	[tilespmem:s13], [sflag:$0x3] =	stream.indirect_vreg.gather [hbm4b:s15+s8], $0x80, v4, vm0, $0xb8;
	[tilespmem:$0x1A980] =	vst v63  }
0x5d: {  	s17 =	simm.s32 $0x8180  }
0x5e: {  	[tilespmem:s17], [sflag:$0x3] =	stream.indirect_vreg.gather [hbm4b:s16+s8], $0x80, v4, vm0, $0xb8;
	[tilespmem:$0x1A980] =	vst v63  }
0x5f: {  	s18 =	simm.s32 $0x8980  }
0x60: {  	[tilespmem:s18], [sflag:$0x3] =	stream.indirect_vreg.gather [hbm4b:s1+s8], $0x80, v3, vm0, $0xb8;
	[tilespmem:$0x1A980] =	vst v63  }
0x61: {  	s20 =	simm.s32 $0x9180  }
0x62: {  	[tilespmem:s20], [sflag:$0x3] =	stream.indirect_vreg.gather [hbm4b:s14+s8], $0x80, v3, vm0, $0xb8;
	[tilespmem:$0x1A980] =	vst v63  }
0x63: {  	s23 =	simm.s32 $0x9980  }
0x64: {  	[tilespmem:s23], [sflag:$0x3] =	stream.indirect_vreg.gather [hbm4b:s15+s8], $0x80, v3, vm0, $0xb8;
	[tilespmem:$0x1A980] =	vst v63  }
0x65: {  	p0 =	por $0x0, $0x0;
	s29 =	simm.s32 $0xA180  }
0x66: {  	[tilespmem:s29], [sflag:$0x3] =	stream.indirect_vreg.gather [hbm4b:s16+s8], $0x80, v3, vm0, $0xb8;
	[tilespmem:$0x1A980] =	vst v63  }
0x67: {  	s28 =	simm.s32 $0x0;
	s30 =	rddreg [dreg:$0xe];
	s31 =	simm.s32 $0xE980  }
0x68: {  	[tilespmem:s31], [sflag:$0x5] =	stream.linear.gather [hbm4b:s30+s8], $0x4000, $0x38;
	[tilespmem:$0x1A980] =	vst v63  }
.LBB2_2:
0x69: {  	s6 =	sand.u32 $0x1, s28  }
0x6a: {  	s29 =	sor.u32 $0x2, s6  }
0x6b: {  	_ =	swait.ge [sflag:s29], $0x4000  }
0x6c: {  	s0 =	simm.s32 $0x1;
	[sflag:s29] =	ssyncset.done $0x0  }
0x6d: {  	p1 =	slt.u32 s28, $0x2;
	s4 =	sor.u32 $0x4, s6;
	[sflag:s29] =	ssyncadd.s32 $0xFFFFC000  }
0x6e: {  	s23 =	simm.s32 $0x0;
	s11 =	simm.s32 $0x0;
	_ =	swait.ge [sflag:s4], $0x4000  }
0x6f: {  	s0 =	simm.s32 @!p0 $0x0;
	s7 =	sor.u32 @!p1 $0x6, s6;
	[sflag:s4] =	ssyncset.done $0x0  }
0x70: {  	s2 =	sshll.u32 s6, $0xE;
	s5 =	sshll.u32 s0, $0x10;
	[sflag:s4] =	ssyncadd.s32 $0xFFFFC000  }
0x71: {  	s0 =	sshll.u32 s0, $0xE;
	s30 =	sor.u32 $0xA980, s2;
	_ =	swait.ge @!p1 [sflag:s7], $0x4000  }
0x72: {  	s10 =	sshrl.u32 s5, $0x2;
	s5 =	sadd.s32 $0x12980, s2;
	[sflag:s7] =	ssyncset.done @!p1 $0x0  }
0x73: {  	[sflag:s7] =	ssyncadd.s32 @!p1 $0xFFFFC000;
	s7 =	sadd.s32 $0x129C0, s10;
	s10 =	simm.s32 $0x0  }
.LBB2_3:
0x74: {  	v4 =	vld [tilespmem:s21+$0x20]  }
0x75: {  	s12 =	sand.u32 $0x7, s23;
	s13 =	sand.u32 $0x3FFFE000, s10;
	v3 =	vld [tilespmem:s21+$0x10]  }
0x76: {  	v5 =	vld [tilespmem:s21+$0x0];
	s13 =	sadd.s32 s13, s0;
	s17 =	sshll.u32 s12, $0x7  }
0x77: {  	v8 =	vld [tilespmem:s21+$0xFFFFFFF0];
	s13 =	sadd.s32 s17, s13  }
0x78: {  	v6 =	vld [tilespmem:s21+$0xFFFFFFE0];
	s13 =	sshll.u32 s13, $0x2  }
0x79: {  	v10 =	vld [tilespmem:s21+$0xFFFFFFC0];
	s13 =	sshra.s32 s13, $0x2  }
0x7a: {  	v16 =	vld [tilespmem:s21+$0xFFFFFFD0];
	s18 =	sadd.s32 $0x2980, s13  }
0x7b: {  	v7 =	vld [tilespmem:s18+$0x20]  }
0x7c: {  	s20 =	sadd.s32 $0xA980, s13;
	v11 =	vld [tilespmem:s18+$0x0]  }
0x7d: {  	v12 =	vld [tilespmem:s20+$0x0]  }
0x7e: {  	v13 =	vld [tilespmem:s18+$0x10]  }
0x7f: {  	v14 =	vld [tilespmem:s20+$0x10]  }
0x80: {  	v15 =	vld [tilespmem:s20+$0x20]  }
0x81: {  	v9 =	vld [tilespmem:s18+$0x30]  }
0x82: {  	v11 =	vadd.f32 v12, v11;
	v12 =	vld [tilespmem:s20+$0x30]  }
0x83: {  	v17 =	vld [tilespmem:s18+$0x40]  }
0x84: {  	v10 =	vadd.f32 v10, v11;
	v11 =	vadd.f32 v14, v13;
	v13 =	vld [tilespmem:s20+$0x40]  }
0x85: {  	v18 =	vld [tilespmem:s18+$0x50];
	v7 =	vadd.f32 v15, v7  }
0x86: {  	v14 =	vmul.f32 v10, v10;
	v15 =	vadd.f32 v16, v11;
	v16 =	vld [tilespmem:s20+$0x50]  }
0x87: {  	s17 =	sshll.u32 s10, $0x2;
	s13 =	sadd.s32 $0x12980, s13;
	v7 =	vadd.f32 v6, v7;
	v6 =	vld [tilespmem:s18+$0x60];
	v11 =	vimm.f32 $0.0e+00;
	v12 =	vadd.f32 v12, v9  }
0x88: {  	s12 =	sshll.u32 s12, $0x9;
	s17 =	sand.u32 $0xFFFF8000, s17;
	[tilespmem:s13+$0x0] =	vst v10;
	v10 =	vadd.f32 v10, v11;
	v9 =	vld [tilespmem:s20+$0x60];
	v14 =	vadd.f32 v14, v11;
	v19 =	vmul.f32 v15, v15  }
0x89: {  	s12 =	sor.u32 s12, s17;
	[tilespmem:s13+$0x20] =	vst v7;
	v11 =	vadd.f32 v8, v12;
	v17 =	vadd.f32 v13, v17;
	v8 =	vld [tilespmem:s18+$0x70]  }
0x8a: {  	s12 =	sshrl.u32 s12, $0x2;
	[tilespmem:s13+$0x10] =	vst v15;
	v13 =	vadd.f32 v15, v10;
	v12 =	vld [tilespmem:s20+$0x70];
	v15 =	vmul.f32 v7, v7;
	v14 =	vadd.f32 v19, v14  }
0x8b: {  	s31 =	sadd.s32 $0x400, s21;
	s17 =	simm.s32 $0x0;
	s12 =	sadd.s32 s12, s7;
	v10 =	vld [tilespmem:s21+$0x30];
	[tilespmem:s13+$0x30] =	vst v11;
	v5 =	vadd.f32 v5, v17;
	v16 =	vadd.f32 v16, v18  }
.LBB2_4:
0x8c: {  	v17 =	vld [tilespmem:s31+$0x20];
	v7 =	vadd.f32 v7, v13;
	v13 =	vadd.f32 v15, v14;
	v14 =	vmul.f32 v11, v11  }
0x8d: {  	[tilespmem:s13+$0x40] =	vst v5;
	v15 =	vadd.f32 v3, v16;
	v3 =	vld [tilespmem:s31+$0x10];
	v6 =	vadd.f32 v9, v6  }
0x8e: {  	v16 =	vld [tilespmem:s31+$0x0];
	v7 =	vadd.f32 v11, v7;
	v9 =	vadd.f32 v14, v13;
	v11 =	vmul.f32 v5, v5  }
0x8f: {  	v13 =	vld [tilespmem:s31+$0xFFFFFFF0];
	[tilespmem:s13+$0x50] =	vst v15;
	v6 =	vadd.f32 v4, v6;
	v12 =	vadd.f32 v12, v8  }
0x90: {  	s18 =	sadd.s32 $0x400, s18;
	v8 =	vld [tilespmem:s31+$0xFFFFFFE0];
	v5 =	vadd.f32 v5, v7;
	v7 =	vadd.f32 v11, v9;
	v9 =	vmul.f32 v15, v15  }
0x91: {  	v11 =	vld [tilespmem:s18+$0x30];
	[tilespmem:s13+$0x60] =	vst v6;
	v10 =	vadd.f32 v10, v12;
	v4 =	vmov v17  }
0x92: {  	v12 =	vld [tilespmem:s18+$0x20];
	v5 =	vadd.f32 v15, v5;
	v7 =	vadd.f32 v9, v7;
	v9 =	vmul.f32 v6, v6  }
0x93: {  	v14 =	vld [tilespmem:s31+$0xFFFFFFC0];
	[tilespmem:s13+$0x70] =	vst v10  }
0x94: {  	s20 =	sadd.s32 $0x400, s20;
	v15 =	vld [tilespmem:s18+$0x0];
	v5 =	vadd.f32 v6, v5;
	v6 =	vadd.f32 v9, v7;
	v7 =	vmul.f32 v10, v10  }
0x95: {  	s17 =	sadd.s32 $0x8, s17;
	v9 =	vld [tilespmem:s20+$0x0]  }
0x96: {  	p1 =	slt.u32 s17, $0x38;
	v17 =	vld [tilespmem:s18+$0x10];
	v5 =	vadd.f32 v10, v5;
	v10 =	vadd.f32 v7, v6  }
0x97: {  	v6 =	vld [tilespmem:s20+$0x10]  }
0x98: {  	v7 =	vld [tilespmem:s20+$0x20]  }
0x99: {  	v18 =	vld [tilespmem:s31+$0xFFFFFFD0]  }
0x9a: {  	v9 =	vadd.f32 v9, v15;
	v15 =	vld [tilespmem:s20+$0x30]  }
0x9b: {  	v19 =	vld [tilespmem:s18+$0x40]  }
0x9c: {  	v9 =	vadd.f32 v14, v9;
	v6 =	vadd.f32 v6, v17;
	v14 =	vld [tilespmem:s20+$0x40]  }
0x9d: {  	s13 =	sadd.s32 $0x400, s13;
	v7 =	vadd.f32 v7, v12;
	v17 =	vld [tilespmem:s18+$0x50]  }
0x9e: {  	[tilespmem:s13+$0x0] =	vst v9;
	v12 =	vmul.f32 v9, v9;
	v18 =	vadd.f32 v18, v6;
	v20 =	vld [tilespmem:s20+$0x50]  }
.Ltmp0:
0x9f: {  	v7 =	vadd.f32 v8, v7;
	v8 =	vadd.f32 v15, v11;
	v6 =	vld [tilespmem:s18+$0x60];
	(pc) =	sbr.rel @p1 .LBB2_4-.Ltmp0, $4  }
0xa0: {  	v5 =	vadd.f32 v9, v5;
	v10 =	vadd.f32 v12, v10;
	[tilespmem:s13+$0x10] =	vst v18;
	v12 =	vmul.f32 v18, v18;
	v9 =	vld [tilespmem:s20+$0x60]  }
0xa1: {  	[tilespmem:s13+$0x20] =	vst v7;
	v11 =	vadd.f32 v13, v8;
	v19 =	vadd.f32 v14, v19;
	v8 =	vld [tilespmem:s18+$0x70]  }
0xa2: {  	v13 =	vadd.f32 v18, v5;
	v15 =	vmul.f32 v7, v7;
	v14 =	vadd.f32 v12, v10;
	v12 =	vld [tilespmem:s20+$0x70]  }
0xa3: {  	[tilespmem:s13+$0x30] =	vst v11;
	v5 =	vadd.f32 v16, v19;
	v16 =	vadd.f32 v20, v17;
	v10 =	vld [tilespmem:s31+$0x30];
	s31 =	sadd.s32 $0x400, s31  }
0xa4: {  	v7 =	vadd.f32 v7, v13  }
0xa5: {  	v13 =	vadd.f32 v15, v14;
	v14 =	vmul.f32 v11, v11  }
0xa6: {  	v6 =	vadd.f32 v9, v6;
	v7 =	vadd.f32 v11, v7  }
0xa7: {  	v3 =	vadd.f32 v3, v16;
	v9 =	vadd.f32 v14, v13;
	v11 =	vmul.f32 v5, v5  }
0xa8: {  	v4 =	vadd.f32 v4, v6;
	v6 =	vadd.f32 v5, v7  }
0xa9: {  	v7 =	vadd.f32 v12, v8;
	v8 =	vadd.f32 v11, v9;
	v9 =	vmul.f32 v3, v3  }
0xaa: {  	v6 =	vadd.f32 v3, v6  }
0xab: {  	v7 =	vadd.f32 v10, v7;
	v8 =	vadd.f32 v9, v8;
	v9 =	vmul.f32 v4, v4  }
0xac: {  	v6 =	vadd.f32 v4, v6  }
0xad: {  	v8 =	vadd.f32 v9, v8;
	v9 =	vmul.f32 v7, v7  }
0xae: {  	v6 =	vadd.f32 v7, v6  }
0xaf: {  	v8 =	vadd.f32 v9, v8  }
0xb0: {  	(xrf2) =	vadd.scan.msk.f32 $0xffff, v6  }
0xb1: {  	(xrf2) =	vadd.scan.msk.f32 $0xffff, v8;
	_ =	sdelay $0x8  }
0xb2: {  	v6, _, _ =	vpop (xrf2)  }
0xb3: {  	(v2sf) =	vpush v6, $0xF;
	v6, _, _ =	vpop (xrf2)  }
0xb4: {  	(v2sf) =	vpush v6, $0xF;
	_ =	sdelay $0xd  }
0xb5: {  	s17 =	spop (v2sf)  }
0xb6: {  	s17 =	smul.f32 $9.765625000e-04, s17;
	s18 =	spop (v2sf)  }
0xb7: {  	s18 =	smul.f32 $9.765625000e-04, s18  }
0xb8: {  	s20 =	smul.f32 s17, s17;
	_ =	sdelay $0x1  }
0xb9: {  	s18 =	ssub.f32 s18, s20;
	_ =	sdelay $0x1  }
0xba: {  	s18 =	sadd.f32 $9.999999740e-06, s18;
	_ =	sdelay $0x1  }
0xbb: {  	v6 =	vmov s18  }
0xbc: {  	v8 =	vshra.s32 v6, $0x1;
	v6 =	vmul.f32 $5.000000000e-01, v6  }
0xbd: {  	v8 =	vsub.s32 $0x5F3759DF, v8  }
0xbe: {  	v9 =	vmul.f32 v8, v6;
	_ =	sdelay $0x1  }
0xbf: {  	v9 =	vmul.f32 v8, v9;
	_ =	sdelay $0x1  }
0xc0: {  	v9 =	vsub.f32 $1.500000000e+00, v9  }
0xc1: {  	[tilespmem:s13+$0x40] =	vst v5  }
0xc2: {  	[tilespmem:s13+$0x50] =	vst v3;
	v3 =	vmul.f32 v8, v9  }
0xc3: {  	[tilespmem:s13+$0x60] =	vst v4  }
0xc4: {  	[tilespmem:s13+$0x70] =	vst v7;
	v4 =	vmul.f32 v3, v6  }
0xc5: {  	s13 =	simm.s32 $0x21C0;
	v5 =	vld [tilespmem:s12+$0x30]  }
0xc6: {  	v10 =	vld [tilespmem:s13+$0x30];
	v4 =	vmul.f32 v4, v3  }
0xc7: {  	v11 =	vld [tilespmem:s12+$0x0]  }
0xc8: {  	v13 =	vld [tilespmem:s12+$0x20];
	v4 =	vsub.f32 $1.500000000e+00, v4  }
0xc9: {  	v14 =	vld [tilespmem:s12+$0xFFFFFFC0]  }
0xca: {  	v15 =	vld [tilespmem:s13+$0xFFFFFFC0];
	v4 =	vmul.f32 v4, v3  }
0xcb: {  	v17 =	vld [tilespmem:s13+$0xFFFFFFD0]  }
0xcc: {  	v18 =	vld [tilespmem:s13+$0xFFFFFFE0];
	v3 =	vmul.f32 v4, v6  }
0xcd: {  	v19 =	vld [tilespmem:s13+$0x0]  }
0xce: {  	v7 =	vld [tilespmem:s12+$0xFFFFFFD0];
	v3 =	vmul.f32 v3, v4  }
0xcf: {  	v8 =	vld [tilespmem:s12+$0xFFFFFFE0]  }
0xd0: {  	v9 =	vld [tilespmem:s12+$0xFFFFFFF0];
	v16 =	vsub.f32 $1.500000000e+00, v3  }
0xd1: {  	v6 =	vld [tilespmem:s12+$0x10];
	v3 =	vmov s17  }
0xd2: {  	v20 =	vld [tilespmem:s13+$0x10];
	v5 =	vsub.f32 v5, v3;
	v4 =	vmul.f32 v16, v4  }
0xd3: {  	v21 =	vld [tilespmem:s13+$0x20];
	s18 =	simm.s32 $0x25C0;
	v7 =	vsub.f32 v7, v3  }
0xd4: {  	v12 =	vld [tilespmem:s18+$0x30];
	v8 =	vsub.f32 v8, v3;
	v5 =	vmul.f32 v5, v4  }
0xd5: {  	v23 =	vld [tilespmem:s18+$0xFFFFFFC0];
	v9 =	vsub.f32 v9, v3;
	v14 =	vsub.f32 v14, v3;
	v7 =	vmul.f32 v7, v4  }
0xd6: {  	v6 =	vsub.f32 v6, v3;
	v16 =	vld [tilespmem:s13+$0xFFFFFFF0];
	v8 =	vmul.f32 v8, v4;
	v22 =	vmul.f32 v5, v10  }
0xd7: {  	v13 =	vsub.f32 v13, v3;
	v10 =	vmul.f32 v14, v4;
	v14 =	vmul.f32 v7, v17;
	v17 =	vld [tilespmem:s18+$0xFFFFFFD0]  }
0xd8: {  	v9 =	vmul.f32 v9, v4;
	v6 =	vmul.f32 v6, v4;
	v5 =	vsub.f32 v11, v3;
	v11 =	vld [tilespmem:s18+$0xFFFFFFE0]  }
0xd9: {  	v63 =	vmul.f32 v13, v4;
	v15 =	vmul.f32 v10, v15;
	v10 =	vld [tilespmem:s18+$0xFFFFFFF0]  }
0xda: {  	v7 =	vmul.f32 v5, v4;
	v5 =	vmul.f32 v8, v18;
	v18 =	vadd.f32 v22, v12;
	v12 =	vld [tilespmem:s18+$0x0]  }
0xdb: {  	v13 =	vld [tilespmem:s18+$0x10];
	v6 =	vmul.f32 v6, v20;
	v9 =	vmul.f32 v9, v16;
	v16 =	vadd.f32 v15, v23  }
0xdc: {  	s20 =	sadd.s32 $0x400, s12;
	s17 =	simm.s32 $0x0;
	v8 =	vmul.f32 v7, v19;
	[tilespmem:s12+$0x30] =	vst v18;
	v7 =	vmul.f32 v63, v21;
	v15 =	vadd.f32 v14, v17;
	v14 =	vld [tilespmem:s18+$0x20]  }
.LBB2_6:
0xdd: {  	v17 =	vld [tilespmem:s20+$0x30];
	s17 =	sadd.s32 $0x8, s17;
	[tilespmem:s12+$0xFFFFFFC0] =	vst v16;
	v5 =	vadd.f32 v5, v11  }
0xde: {  	v11 =	vld [tilespmem:s20+$0xFFFFFFD0];
	p1 =	slt.u32 s17, $0x38;
	[tilespmem:s12+$0xFFFFFFD0] =	vst v15;
	v9 =	vadd.f32 v9, v10  }
0xdf: {  	v10 =	vld [tilespmem:s20+$0xFFFFFFE0];
	[tilespmem:s12+$0xFFFFFFE0] =	vst v5;
	v5 =	vadd.f32 v8, v12  }
0xe0: {  	s13 =	sadd.s32 $0x80, s13;
	v8 =	vld [tilespmem:s20+$0xFFFFFFF0];
	[tilespmem:s12+$0xFFFFFFF0] =	vst v9;
	v6 =	vadd.f32 v6, v13  }
0xe1: {  	v9 =	vld [tilespmem:s13+$0x30];
	[tilespmem:s12+$0x0] =	vst v5;
	v5 =	vadd.f32 v7, v14  }
0xe2: {  	s18 =	sadd.s32 $0x80, s18;
	v7 =	vld [tilespmem:s20+$0x0];
	v12 =	vsub.f32 v17, v3;
	[tilespmem:s12+$0x10] =	vst v6  }
0xe3: {  	v6 =	vsub.f32 v11, v3;
	v11 =	vld [tilespmem:s18+$0x30];
	[tilespmem:s12+$0x20] =	vst v5;
	s12 =	smov.u32 s20  }
0xe4: {  	v5 =	vsub.f32 v10, v3;
	v10 =	vld [tilespmem:s20+$0x10];
	v12 =	vmul.f32 v12, v4  }
0xe5: {  	v6 =	vmul.f32 v6, v4;
	v8 =	vsub.f32 v8, v3;
	v13 =	vld [tilespmem:s20+$0x20]  }
0xe6: {  	v14 =	vld [tilespmem:s20+$0xFFFFFFC0];
	v5 =	vmul.f32 v5, v4;
	v9 =	vmul.f32 v12, v9  }
0xe7: {  	v12 =	vld [tilespmem:s13+$0xFFFFFFC0];
	v8 =	vmul.f32 v8, v4;
	v7 =	vsub.f32 v7, v3  }
0xe8: {  	v15 =	vld [tilespmem:s13+$0xFFFFFFD0];
	v9 =	vadd.f32 v9, v11  }
0xe9: {  	v11 =	vld [tilespmem:s13+$0xFFFFFFE0];
	v7 =	vmul.f32 v7, v4;
	v10 =	vsub.f32 v10, v3  }
0xea: {  	v16 =	vld [tilespmem:s13+$0xFFFFFFF0];
	v13 =	vsub.f32 v13, v3;
	[tilespmem:s20+$0x30] =	vst v9  }
0xeb: {  	v9 =	vsub.f32 v14, v3;
	v14 =	vld [tilespmem:s13+$0x0];
	v17 =	vmul.f32 v10, v4  }
0xec: {  	v18 =	vld [tilespmem:s13+$0x10];
	v13 =	vmul.f32 v13, v4  }
0xed: {  	v9 =	vmul.f32 v9, v4;
	v15 =	vmul.f32 v6, v15;
	v19 =	vld [tilespmem:s13+$0x20]  }
0xee: {  	v20 =	vld [tilespmem:s18+$0xFFFFFFC0];
	v5 =	vmul.f32 v5, v11  }
0xef: {  	v21 =	vmul.f32 v9, v12;
	v22 =	vld [tilespmem:s18+$0xFFFFFFD0];
	v9 =	vmul.f32 v8, v16  }
.Ltmp1:
0xf0: {  	v11 =	vld [tilespmem:s18+$0xFFFFFFE0];
	v8 =	vmul.f32 v7, v14;
	(pc) =	sbr.rel @p1 .LBB2_6-.Ltmp1, $4  }
0xf1: {  	v10 =	vld [tilespmem:s18+$0xFFFFFFF0];
	v6 =	vmul.f32 v17, v18  }
0xf2: {  	v12 =	vld [tilespmem:s18+$0x0];
	v7 =	vmul.f32 v13, v19  }
0xf3: {  	v16 =	vadd.f32 v21, v20;
	v13 =	vld [tilespmem:s18+$0x10]  }
0xf4: {  	s20 =	sadd.s32 $0x400, s20;
	v15 =	vadd.f32 v15, v22;
	v14 =	vld [tilespmem:s18+$0x20]  }
0xf5: {  	[tilespmem:s12+$0xFFFFFFC0] =	vst v16;
	v3 =	vadd.f32 v5, v11;
	s11 =	sadd.s32 $0x1, s11  }
0xf6: {  	[tilespmem:s12+$0xFFFFFFD0] =	vst v15;
	v4 =	vadd.f32 v9, v10;
	p1 =	sne.s32 s11, $0x10  }
.Ltmp2:
0xf7: {  	[tilespmem:s12+$0xFFFFFFE0] =	vst v3;
	v3 =	vadd.f32 v8, v12;
	(pc) =	sbr.rel @p1 .LBB2_3-.Ltmp2, $4  }
0xf8: {  	[tilespmem:s12+$0xFFFFFFF0] =	vst v4;
	v63 =	vadd.f32 v6, v13  }
0xf9: {  	[tilespmem:s12+$0x0] =	vst v3;
	v3 =	vadd.f32 v7, v14  }
0xfa: {  	[tilespmem:s12+$0x10] =	vst v63  }
0xfb: {  	s10 =	sadd.s32 $0x400, s10;
	s23 =	sadd.s32 $0x1, s23;
	[tilespmem:s12+$0x20] =	vst v3  }
0xfc: {  	s0 =	sshll.u32 s28, $0xB  }
0xfd: {  	s6 =	sor.u32 $0x6, s6;
	p1 =	sgt.u32 s28, $0xD;
	s0 =	sadd.s32 s0, s19  }
0xfe: {  	[hbm4b:s0+s8] =	stream.linear.scatter [tilespmem:s5], [sflag:s6], $0x4000, $0x38;
	[tilespmem:$0x1A980] =	vst v63  }
0xff: {  	s0 =	sshll.u32 @!p1 s28, $0x4  }
0x100: {  	v3 =	vld @!p1 [tilespmem:s0+$0x20];
	_ =	sdelay $0x4  }
0x101: {  	v4 =	vshll.u32 @!p1 v3, $0x3  }
0x102: {  	v5 =	vlaneseq.u32 @!p1;
	v3 =	vand.u32 @!p1 $0x7, v3;
	v4 =	vand.u32 @!p1 $0xFFFFFFC0, v4  }
0x103: {  	v6 =	vshrl.u32 @!p1 v5, $0x3;
	v3 =	vor.u32 @!p1 v3, v4;
	v4 =	vand.u32 @!p1 $0x7, v5  }
0x104: {  	v6 =	vmul.u32 @!p1 $0x8, v6;
	v4 =	vperm.xlane @!p1 v3, v4;
	_ =	sdelay $0x1  }
0x105: {  	v4 =	vadd.s32 @!p1 v6, v4;
	_ =	sdelay $0x3  }
0x106: {  	vm1 =	vmmov @!p1 $0xffff;
	s5 =	sadd.s32 @!p1 $0x2980, s2;
	s6 =	simm.s32 @!p1 $0x0  }
0x107: {  	v5 =	vor.u32 @!p1 $0x8, v5;
	[tilespmem:s5], [sflag:s29] =	stream.indirect_vreg.gather @!p1 [hbm4b:s1+s6], $0x80, v4, vm1, $0xb8;
	[tilespmem:$0x1A980] =	vst v63  }
0x108: {  	v3 =	vperm.xlane @!p1 v3, v5;
	s5 =	sadd.s32 @!p1 $0x3180, s2  }
0x109: {  	[tilespmem:s5], [sflag:s29] =	stream.indirect_vreg.gather @!p1 [hbm4b:s14+s6], $0x80, v4, vm1, $0xb8;
	[tilespmem:$0x1A980] =	vst v63  }
0x10a: {  	v3 =	vadd.s32 @!p1 v6, v3;
	s5 =	sadd.s32 @!p1 $0x3980, s2  }
0x10b: {  	[tilespmem:s5], [sflag:s29] =	stream.indirect_vreg.gather @!p1 [hbm4b:s15+s6], $0x80, v4, vm1, $0xb8;
	[tilespmem:$0x1A980] =	vst v63  }
0x10c: {  	s5 =	sadd.s32 @!p1 $0x4180, s2  }
0x10d: {  	[tilespmem:s5], [sflag:s29] =	stream.indirect_vreg.gather @!p1 [hbm4b:s16+s6], $0x80, v4, vm1, $0xb8;
	[tilespmem:$0x1A980] =	vst v63  }
0x10e: {  	s5 =	sadd.s32 @!p1 $0x4980, s2  }
0x10f: {  	[tilespmem:s5], [sflag:s29] =	stream.indirect_vreg.gather @!p1 [hbm4b:s1+s6], $0x80, v3, vm1, $0xb8;
	[tilespmem:$0x1A980] =	vst v63  }
0x110: {  	s0 =	sadd.s32 @!p1 $0x20, s0;
	s5 =	sadd.s32 @!p1 $0x5180, s2  }
0x111: {  	[tilespmem:s5], [sflag:s29] =	stream.indirect_vreg.gather @!p1 [hbm4b:s14+s6], $0x80, v3, vm1, $0xb8;
	[tilespmem:$0x1A980] =	vst v63  }
0x112: {  	s0 =	sadd.s32 @!p1 s9, s0;
	s5 =	sadd.s32 @!p1 $0x5980, s2  }
0x113: {  	[tilespmem:s5], [sflag:s29] =	stream.indirect_vreg.gather @!p1 [hbm4b:s15+s6], $0x80, v3, vm1, $0xb8;
	[tilespmem:$0x1A980] =	vst v63  }
0x114: {  	s0 =	sshll.u32 @!p1 s0, $0x7;
	s2 =	sadd.s32 @!p1 $0x6180, s2  }
0x115: {  	[tilespmem:s2], [sflag:s29] =	stream.indirect_vreg.gather @!p1 [hbm4b:s16+s6], $0x80, v3, vm1, $0xb8;
	[tilespmem:$0x1A980] =	vst v63  }
0x116: {  	s28 =	sadd.s32 $0x1, s28;
	s0 =	sadd.s32 @!p1 s3, s0  }
0x117: {  	[tilespmem:s30], [sflag:s4] =	stream.linear.gather @!p1 [hbm4b:s0+s6], $0x4000, $0x38;
	[tilespmem:$0x1A980] =	vst v63  }
0x118: {  	p1 =	sne.s32 s28, $0x10  }
.Ltmp3:
0x119: {  	_ = 	snop;
	(pc) =	sbr.rel @p1 .LBB2_2-.Ltmp3, $2  }
0x11a: {  	_ =	sdelay $0x2  }
0x11b: {  	p0 =	por !p0, !p0  }
0x11c: {  	_ =	swait.ge [sflag:s24], $0x4000  }
0x11d: {  	[sflag:s24] =	ssyncset.done $0x0  }
0x11e: {  	[sflag:s24] =	ssyncadd.s32 $0xFFFFC000  }
0x11f: {  	_ =	swait.ge [sflag:s25], $0x4000  }
0x120: {  	s26 =	sadd.s32 $0x1, s26;
	s0 =	rddreg [dreg:$0xf]  }
0x121: {  	p0 =	sne.s32 s26, s0  }
.Ltmp4:
0x122: {  	_ = 	snop;
	(pc) =	sbr.rel @p0 .LBB2_1-.Ltmp4, $3  }
0x123: {  	_ =	sdelay $0x1  }
0x124: {  	[sflag:s25] =	ssyncset.done $0x0  }
0x125: {  	[sflag:s25] =	ssyncadd.s32 $0xFFFFC000  }
0x126: {  	_ =	sfence.sel $0x180000  }
0x127: {  	[bflag:$0x0] =	sbarrier.arrive $0xFFFF  }
0x128: {  	_ =	strace $0x90000047  }
0x129: {  	s0 =	stileid.u32;
	[bflag:$0x2] =	sbarrier.arrive $0xFFFF  }
0x12a: {  	p0 =	sne.s32 s0, $0x0;
	s0 =	rddreg [dreg:$0x8]  }
0x12b: {  	s0 =	sadd.s32 @!p0 $0x100000, s0  }
0x12c: {  	[sflag:s0] =	ssyncadd.tile.s32 @!p0 $0x1;
	_ =	shalt  }
.Lfunc_end2:
_tile_overlayer_lowered:
.L_overlay_start_2:
0x12d: {  	(tag) =	ssettag $0x2  }
0x12e: {  	s0 =	rddreg [dreg:$0x0];
	s2 =	stileid.u32  }
0x12f: {  	s1 =	rddreg [dreg:$0x1];
	p0 =	sne.s32 s2, $0x0  }
0x130: {  	s3 =	rddreg [dreg:$0x2];
	[bflag:$0x3] =	sbarrier.arrive $0xFFFF;
	s2 =	simm.s32 @!p0 $0x1C08  }
0x131: {  	[timem:s3], [sflag:s2] =	dma.local @!p0 [hbm:s0], s1  }
0x132: {  	s0 =	simm.s32 @!p0 $0x8  }
0x133: {  	_ =	swait.ge @!p0 [sflag:s0], s1  }
0x134: {  	s1 =	ssub.s32 @!p0 $0x0, s1;
	[sflag:s0] =	ssyncset.done @!p0 $0x0  }
0x135: {  	[sflag:s0] =	ssyncadd.s32 @!p0 s1  }
0x136: {  	[bflag:$0x3] =	sbarrier.arrive $0xFFFF  }
0x137: {  	_ =	shalt  }

</sc_bundles>
